<compile_context>
chip_gen: v7x
topology: tpu7x:2x2x1
jax: 0.10.2.dev20260603
libtpu: 0.0.44.dev20260713+nightly
codegen_flags: <defaults>
</compile_context>

<pallas_src>
import jax
import jax.numpy as jnp
from jax import lax
from jax.experimental import pallas as pl
from jax.experimental.pallas import tpu as pltpu
from jax.experimental.pallas import tpu_sc as plsc

PERIODS = 10000
FREQS = 32
BATCH = 4096
SEQ = 200
D = 2 * FREQS

NC = 2
NS = 16
NW = NC * NS

B_TOTAL = BATCH * SEQ
B_PER_W = B_TOTAL // NW
CHUNK = 800
N_CHUNKS = B_PER_W // CHUNK


def _gather_body(table_hbm, idx_hbm, out_hbm, idx_v, rows_v,
                 isem0, isem1, gsem0, gsem1, osem0, osem1):
    wid = lax.axis_index("s") * NC + lax.axis_index("c")
    w_base = wid * B_PER_W
    isem = (isem0, isem1)
    gsem = (gsem0, gsem1)
    osem = (osem0, osem1)

    def idx_start(i, b):
        base = pl.multiple_of(w_base + i * CHUNK, 8)
        pltpu.async_copy(idx_hbm.at[pl.ds(base, CHUNK)], idx_v.at[b], isem[b])

    def idx_wait(i, b):
        base = pl.multiple_of(w_base + i * CHUNK, 8)
        pltpu.make_async_copy(
            idx_hbm.at[pl.ds(base, CHUNK)], idx_v.at[b], isem[b]).wait()

    def gather(b):
        pltpu.async_copy(table_hbm.at[idx_v.at[b]], rows_v.at[b],
                         gsem[b]).wait()

    def out_start(i, b):
        base = pl.multiple_of(w_base + i * CHUNK, 8)
        pltpu.async_copy(rows_v.at[b], out_hbm.at[pl.ds(base, CHUNK)], osem[b])

    def out_wait(i, b):
        base = pl.multiple_of(w_base + i * CHUNK, 8)
        pltpu.make_async_copy(
            rows_v.at[b], out_hbm.at[pl.ds(base, CHUNK)], osem[b]).wait()

    idx_start(0, 0)
    idx_start(1, 1)
    for b in range(2):
        idx_wait(b, b)
        gather(b)
        out_start(b, b)
        idx_start(b + 2, b)

    def step(j, carry):
        for b in range(2):
            i = 2 * j + b
            idx_wait(i, b)
            out_wait(i - 2, b)
            gather(b)
            out_start(i, b)
            idx_start(i + 2, b)
        return carry

    lax.fori_loop(1, N_CHUNKS // 2 - 1, step, 0)

    for b in range(2):
        i = N_CHUNKS - 2 + b
        idx_wait(i, b)
        out_wait(i - 2, b)
        gather(b)
        out_start(i, b)
    for b in range(2):
        out_wait(N_CHUNKS - 2 + b, b)


@jax.jit
def _expand(tc, embedding):
    idx = tc.T.reshape(-1).astype(jnp.int32)
    mesh = plsc.VectorSubcoreMesh(core_axis_name="c", subcore_axis_name="s")
    rows = pl.kernel(
        _gather_body,
        out_type=jax.ShapeDtypeStruct((B_TOTAL, D), jnp.float32),
        mesh=mesh,
        scratch_types=[
            pltpu.VMEM((2, CHUNK), jnp.int32),
            pltpu.VMEM((2, CHUNK, D), jnp.float32),
        ] + [pltpu.SemaphoreType.DMA] * 6,
        compiler_params=pltpu.CompilerParams(use_tc_tiling_on_sc=False),
    )(embedding, idx)

    return rows.reshape(SEQ, BATCH, D).transpose(1, 0, 2)


def kernel(tc, embedding):
    return _expand(tc, embedding)

# --- scband reference (transcript-rebuilt; emitter-appended) ---
"""Pipeline reference for scband-position-expansion-3539053052418 (READ-ONLY COPY).

The authoritative reference and input builder live on the scoring server;
editing this copy changes nothing except your own understanding.
"""

import jax, jax.numpy as jnp
import numpy as np

PERIODS = 10000
FREQS = 32
BATCH = 4096
SEQ = 200


def position_encoding(periods: int, freqs: int) -> np.ndarray:
    # Sinusoidal position encoding table: [periods, 2*freqs]
    t = np.arange(periods, dtype=np.float64)[:, None]
    f = np.arange(freqs, dtype=np.float64)[None, :]
    inv_freq = 1.0 / np.power(float(periods), f / float(freqs))
    ang = t * inv_freq
    table = np.concatenate([np.sin(ang), np.cos(ang)], axis=-1)
    return table.astype(np.float32)


def setup_inputs(seed: int = 0) -> dict:
    key = jax.random.key(seed)
    tc = jax.random.randint(key, (BATCH, SEQ), 0, PERIODS)
    embedding = jnp.asarray(position_encoding(PERIODS, FREQS))
    return {"tc": tc, "embedding": embedding}


def reference(tc, embedding):
    channels = embedding.shape[-1]
    # flat = tf.reshape(tc, [1, -1]); embedded = tf.gather(embedding, flat)
    flat = tc.reshape(1, -1)
    embedded = jnp.take(embedding, flat, axis=0)  # [1, B*L, channels]
    b, l = tc.shape
    # tf.reshape(embedded, [B, L, channels])
    return embedded.reshape(b, l, channels)

if __name__ == "__main__":
    import jax
    _d = setup_inputs()
    print(jax.jit(kernel)(*tuple(_d.values())))

</pallas_src>

<mosaic_0001>
#map = affine_map<(d0, d1) -> (0, 0)>
#map1 = affine_map<(d0, d1) -> (0)>
module attributes {stable_mosaic.version = 14 : i64} {
  func.func @_gather_body(%arg0: i32, %arg1: i32, %arg2: memref<10000x64xf32, #tpu.memory_space<hbm>>, %arg3: memref<819200xi32, #tpu.memory_space<hbm>>, %arg4: memref<819200x64xf32, #tpu.memory_space<hbm>>, %arg5: memref<2x800xi32, #tpu.memory_space<vmem>>, %arg6: memref<2x800x64xf32, #tpu.memory_space<vmem>>, %arg7: memref<!tpu.dma_semaphore, #tpu.memory_space<semaphore_mem>>, %arg8: memref<!tpu.dma_semaphore, #tpu.memory_space<semaphore_mem>>, %arg9: memref<!tpu.dma_semaphore, #tpu.memory_space<semaphore_mem>>, %arg10: memref<!tpu.dma_semaphore, #tpu.memory_space<semaphore_mem>>, %arg11: memref<!tpu.dma_semaphore, #tpu.memory_space<semaphore_mem>>, %arg12: memref<!tpu.dma_semaphore, #tpu.memory_space<semaphore_mem>>) attributes {dimension_semantics = [#tpu.dimension_semantics<core_parallel>, #tpu.dimension_semantics<subcore_parallel>], iteration_bounds = array<i64: 2, 16>, scalar_prefetch = 0 : i64, scratch_operands = 8 : i64, tpu.core_type = #tpu.core_type<sc_vector_subcore>, window_params = [{transform_indices = #map}, {transform_indices = #map1}, {transform_indices = #map}]} {
    %mul3A = arith.constant 2 : i32
    %mul3A_0 = arith.muli %arg1, %mul3A : i32
    %add3A = arith.addi %mul3A_0, %arg0 : i32
    %mul3A_1 = arith.constant 25600 : i32
    %mul3A_2 = arith.muli %add3A, %mul3A_1 : i32
    %add3A_3 = arith.constant 0 : i32
    %add3A_4 = arith.addi %mul3A_2, %add3A_3 : i32
    %multiple_of3A = tpu.assume_multiple %add3A_4, 8 : i32
    %dma_start3A = arith.constant 0 : i32
    %dma_start3A_5 = arith.constant 0 : i32
    %dma_start3A_6 = tpu.memref_slice %arg5[%dma_start3A, %dma_start3A_5] : memref<2x800xi32, #tpu.memory_space<vmem>> -> memref<1x800xi32, #tpu.memory_space<vmem>>
    %dma_start3A_7 = tpu.memref_squeeze %dma_start3A_6 : memref<1x800xi32, #tpu.memory_space<vmem>> -> memref<800xi32, #tpu.memory_space<vmem>>
    %dma_start3A_8 = tpu.memref_slice %arg3[%multiple_of3A] : memref<819200xi32, #tpu.memory_space<hbm>> -> memref<800xi32, #tpu.memory_space<hbm>>
    %dma_start3A_9 = arith.constant 0 : i32
    %dma_start3A_10 = tpu.memref_slice %arg5[%dma_start3A, %dma_start3A_9] : memref<2x800xi32, #tpu.memory_space<vmem>> -> memref<1x800xi32, #tpu.memory_space<vmem>>
    %dma_start3A_11 = tpu.memref_squeeze %dma_start3A_10 : memref<1x800xi32, #tpu.memory_space<vmem>> -> memref<800xi32, #tpu.memory_space<vmem>>
    %dma_start3A_12 = tpu.memref_slice %arg3[%multiple_of3A] : memref<819200xi32, #tpu.memory_space<hbm>> -> memref<800xi32, #tpu.memory_space<hbm>>
    tpu.enqueue_dma source(%dma_start3A_12 : memref<800xi32, #tpu.memory_space<hbm>>) target(%dma_start3A_11 : memref<800xi32, #tpu.memory_space<vmem>>) target_semaphore(%arg7 : memref<!tpu.dma_semaphore, #tpu.memory_space<semaphore_mem>>)
    %add3A_13 = arith.constant 800 : i32
    %add3A_14 = arith.addi %mul3A_2, %add3A_13 : i32
    %multiple_of3A_15 = tpu.assume_multiple %add3A_14, 8 : i32
    %dma_start3A_16 = arith.constant 1 : i32
    %dma_start3A_17 = arith.constant 0 : i32
    %dma_start3A_18 = tpu.memref_slice %arg5[%dma_start3A_16, %dma_start3A_17] : memref<2x800xi32, #tpu.memory_space<vmem>> -> memref<1x800xi32, #tpu.memory_space<vmem>>
    %dma_start3A_19 = tpu.memref_squeeze %dma_start3A_18 : memref<1x800xi32, #tpu.memory_space<vmem>> -> memref<800xi32, #tpu.memory_space<vmem>>
    %dma_start3A_20 = tpu.memref_slice %arg3[%multiple_of3A_15] : memref<819200xi32, #tpu.memory_space<hbm>> -> memref<800xi32, #tpu.memory_space<hbm>>
    %dma_start3A_21 = arith.constant 0 : i32
    %dma_start3A_22 = tpu.memref_slice %arg5[%dma_start3A_16, %dma_start3A_21] : memref<2x800xi32, #tpu.memory_space<vmem>> -> memref<1x800xi32, #tpu.memory_space<vmem>>
    %dma_start3A_23 = tpu.memref_squeeze %dma_start3A_22 : memref<1x800xi32, #tpu.memory_space<vmem>> -> memref<800xi32, #tpu.memory_space<vmem>>
    %dma_start3A_24 = tpu.memref_slice %arg3[%multiple_of3A_15] : memref<819200xi32, #tpu.memory_space<hbm>> -> memref<800xi32, #tpu.memory_space<hbm>>
    tpu.enqueue_dma source(%dma_start3A_24 : memref<800xi32, #tpu.memory_space<hbm>>) target(%dma_start3A_23 : memref<800xi32, #tpu.memory_space<vmem>>) target_semaphore(%arg8 : memref<!tpu.dma_semaphore, #tpu.memory_space<semaphore_mem>>)
    %add3A_25 = arith.constant 0 : i32
    %add3A_26 = arith.addi %mul3A_2, %add3A_25 : i32
    %multiple_of3A_27 = tpu.assume_multiple %add3A_26, 8 : i32
    %dma_wait3A = arith.constant 0 : i32
    %dma_wait3A_28 = arith.constant 0 : i32
    %dma_wait3A_29 = tpu.memref_slice %arg5[%dma_wait3A, %dma_wait3A_28] : memref<2x800xi32, #tpu.memory_space<vmem>> -> memref<1x800xi32, #tpu.memory_space<vmem>>
    %dma_wait3A_30 = tpu.memref_squeeze %dma_wait3A_29 : memref<1x800xi32, #tpu.memory_space<vmem>> -> memref<800xi32, #tpu.memory_space<vmem>>
    %dma_wait3A_31 = tpu.memref_slice %arg3[%multiple_of3A_27] : memref<819200xi32, #tpu.memory_space<hbm>> -> memref<800xi32, #tpu.memory_space<hbm>>
    %dma_wait3A_32 = arith.constant 0 : i32
    %dma_wait3A_33 = tpu.memref_slice %arg5[%dma_wait3A, %dma_wait3A_32] : memref<2x800xi32, #tpu.memory_space<vmem>> -> memref<1x800xi32, #tpu.memory_space<vmem>>
    %dma_wait3A_34 = tpu.memref_squeeze %dma_wait3A_33 : memref<1x800xi32, #tpu.memory_space<vmem>> -> memref<800xi32, #tpu.memory_space<vmem>>
    %dma_wait3A_35 = tpu.memref_slice %arg3[%multiple_of3A_27] : memref<819200xi32, #tpu.memory_space<hbm>> -> memref<800xi32, #tpu.memory_space<hbm>>
    tpu.wait_dma2 semaphore(%arg7 : memref<!tpu.dma_semaphore, #tpu.memory_space<semaphore_mem>>) src(%dma_wait3A_35 : memref<800xi32, #tpu.memory_space<hbm>>) dst(%dma_wait3A_34 : memref<800xi32, #tpu.memory_space<vmem>>)
    %dma_start3A_36 = arith.constant 0 : i32
    %dma_start3A_37 = arith.constant 0 : i32
    %dma_start3A_38 = arith.constant 0 : i32
    %dma_start3A_39 = arith.constant 0 : i32
    %dma_start3A_40 = tpu.memref_slice %arg6[%dma_start3A_37, %dma_start3A_38, %dma_start3A_39] : memref<2x800x64xf32, #tpu.memory_space<vmem>> -> memref<1x800x64xf32, #tpu.memory_space<vmem>>
    %dma_start3A_41 = tpu.memref_squeeze %dma_start3A_40 : memref<1x800x64xf32, #tpu.memory_space<vmem>> -> memref<800x64xf32, #tpu.memory_space<vmem>>
    %dma_start3A_42 = arith.constant 0 : i32
    %dma_start3A_43 = tpu.memref_slice %arg5[%dma_start3A_36, %dma_start3A_42] : memref<2x800xi32, #tpu.memory_space<vmem>> -> memref<1x800xi32, #tpu.memory_space<vmem>>
    %dma_start3A_44 = tpu.memref_squeeze %dma_start3A_43 : memref<1x800xi32, #tpu.memory_space<vmem>> -> memref<800xi32, #tpu.memory_space<vmem>>
    %dma_start3A_45 = arith.constant 0 : i32
    %dma_start3A_46 = arith.constant 0 : i32
    %dma_start3A_47 = tpu.memref_slice %arg2[%dma_start3A_45, %dma_start3A_46] : memref<10000x64xf32, #tpu.memory_space<hbm>> -> memref<10000x64xf32, #tpu.memory_space<hbm>>
    tpu.enqueue_indirect_dma source(%dma_start3A_47 : memref<10000x64xf32, #tpu.memory_space<hbm>>) target(%dma_start3A_41 : memref<800x64xf32, #tpu.memory_space<vmem>>) offsets(%dma_start3A_44 : memref<800xi32, #tpu.memory_space<vmem>>) semaphore(%arg9 : memref<!tpu.dma_semaphore, #tpu.memory_space<semaphore_mem>>)
    %dma_wait3A_48 = arith.constant 0 : i32
    %dma_wait3A_49 = arith.constant 0 : i32
    %dma_wait3A_50 = arith.constant 0 : i32
    %dma_wait3A_51 = arith.constant 0 : i32
    %dma_wait3A_52 = tpu.memref_slice %arg6[%dma_wait3A_49, %dma_wait3A_50, %dma_wait3A_51] : memref<2x800x64xf32, #tpu.memory_space<vmem>> -> memref<1x800x64xf32, #tpu.memory_space<vmem>>
    %dma_wait3A_53 = tpu.memref_squeeze %dma_wait3A_52 : memref<1x800x64xf32, #tpu.memory_space<vmem>> -> memref<800x64xf32, #tpu.memory_space<vmem>>
    %dma_wait3A_54 = arith.constant 0 : i32
    %dma_wait3A_55 = tpu.memref_slice %arg5[%dma_wait3A_48, %dma_wait3A_54] : memref<2x800xi32, #tpu.memory_space<vmem>> -> memref<1x800xi32, #tpu.memory_space<vmem>>
    %dma_wait3A_56 = tpu.memref_squeeze %dma_wait3A_55 : memref<1x800xi32, #tpu.memory_space<vmem>> -> memref<800xi32, #tpu.memory_space<vmem>>
    %dma_wait3A_57 = arith.constant 0 : i32
    %dma_wait3A_58 = arith.constant 0 : i32
    %dma_wait3A_59 = tpu.memref_slice %arg2[%dma_wait3A_57, %dma_wait3A_58] : memref<10000x64xf32, #tpu.memory_space<hbm>> -> memref<10000x64xf32, #tpu.memory_space<hbm>>
    tpu.wait_indirect_dma semaphore(%arg9 : memref<!tpu.dma_semaphore, #tpu.memory_space<semaphore_mem>>) src(%dma_wait3A_59 : memref<10000x64xf32, #tpu.memory_space<hbm>>) dst(%dma_wait3A_53 : memref<800x64xf32, #tpu.memory_space<vmem>>)
    %add3A_60 = arith.constant 0 : i32
    %add3A_61 = arith.addi %mul3A_2, %add3A_60 : i32
    %multiple_of3A_62 = tpu.assume_multiple %add3A_61, 8 : i32
    %dma_start3A_63 = arith.constant 0 : i32
    %dma_start3A_64 = arith.constant 0 : i32
    %dma_start3A_65 = arith.constant 0 : i32
    %dma_start3A_66 = tpu.memref_slice %arg6[%dma_start3A_63, %dma_start3A_64, %dma_start3A_65] : memref<2x800x64xf32, #tpu.memory_space<vmem>> -> memref<1x800x64xf32, #tpu.memory_space<vmem>>
    %dma_start3A_67 = tpu.memref_squeeze %dma_start3A_66 : memref<1x800x64xf32, #tpu.memory_space<vmem>> -> memref<800x64xf32, #tpu.memory_space<vmem>>
    %dma_start3A_68 = arith.constant 0 : i32
    %dma_start3A_69 = tpu.memref_slice %arg4[%multiple_of3A_62, %dma_start3A_68] : memref<819200x64xf32, #tpu.memory_space<hbm>> -> memref<800x64xf32, #tpu.memory_space<hbm>>
    %dma_start3A_70 = arith.constant 0 : i32
    %dma_start3A_71 = tpu.memref_slice %arg4[%multiple_of3A_62, %dma_start3A_70] : memref<819200x64xf32, #tpu.memory_space<hbm>> -> memref<800x64xf32, #tpu.memory_space<hbm>>
    %dma_start3A_72 = arith.constant 0 : i32
    %dma_start3A_73 = arith.constant 0 : i32
    %dma_start3A_74 = tpu.memref_slice %arg6[%dma_start3A_63, %dma_start3A_72, %dma_start3A_73] : memref<2x800x64xf32, #tpu.memory_space<vmem>> -> memref<1x800x64xf32, #tpu.memory_space<vmem>>
    %dma_start3A_75 = tpu.memref_squeeze %dma_start3A_74 : memref<1x800x64xf32, #tpu.memory_space<vmem>> -> memref<800x64xf32, #tpu.memory_space<vmem>>
    tpu.enqueue_dma source(%dma_start3A_75 : memref<800x64xf32, #tpu.memory_space<vmem>>) target(%dma_start3A_71 : memref<800x64xf32, #tpu.memory_space<hbm>>) target_semaphore(%arg11 : memref<!tpu.dma_semaphore, #tpu.memory_space<semaphore_mem>>)
    %add3A_76 = arith.constant 1600 : i32
    %add3A_77 = arith.addi %mul3A_2, %add3A_76 : i32
    %multiple_of3A_78 = tpu.assume_multiple %add3A_77, 8 : i32
    %dma_start3A_79 = arith.constant 0 : i32
    %dma_start3A_80 = arith.constant 0 : i32
    %dma_start3A_81 = tpu.memref_slice %arg5[%dma_start3A_79, %dma_start3A_80] : memref<2x800xi32, #tpu.memory_space<vmem>> -> memref<1x800xi32, #tpu.memory_space<vmem>>
    %dma_start3A_82 = tpu.memref_squeeze %dma_start3A_81 : memref<1x800xi32, #tpu.memory_space<vmem>> -> memref<800xi32, #tpu.memory_space<vmem>>
    %dma_start3A_83 = tpu.memref_slice %arg3[%multiple_of3A_78] : memref<819200xi32, #tpu.memory_space<hbm>> -> memref<800xi32, #tpu.memory_space<hbm>>
    %dma_start3A_84 = arith.constant 0 : i32
    %dma_start3A_85 = tpu.memref_slice %arg5[%dma_start3A_79, %dma_start3A_84] : memref<2x800xi32, #tpu.memory_space<vmem>> -> memref<1x800xi32, #tpu.memory_space<vmem>>
    %dma_start3A_86 = tpu.memref_squeeze %dma_start3A_85 : memref<1x800xi32, #tpu.memory_space<vmem>> -> memref<800xi32, #tpu.memory_space<vmem>>
    %dma_start3A_87 = tpu.memref_slice %arg3[%multiple_of3A_78] : memref<819200xi32, #tpu.memory_space<hbm>> -> memref<800xi32, #tpu.memory_space<hbm>>
    tpu.enqueue_dma source(%dma_start3A_87 : memref<800xi32, #tpu.memory_space<hbm>>) target(%dma_start3A_86 : memref<800xi32, #tpu.memory_space<vmem>>) target_semaphore(%arg7 : memref<!tpu.dma_semaphore, #tpu.memory_space<semaphore_mem>>)
    %add3A_88 = arith.constant 800 : i32
    %add3A_89 = arith.addi %mul3A_2, %add3A_88 : i32
    %multiple_of3A_90 = tpu.assume_multiple %add3A_89, 8 : i32
    %dma_wait3A_91 = arith.constant 1 : i32
    %dma_wait3A_92 = arith.constant 0 : i32
    %dma_wait3A_93 = tpu.memref_slice %arg5[%dma_wait3A_91, %dma_wait3A_92] : memref<2x800xi32, #tpu.memory_space<vmem>> -> memref<1x800xi32, #tpu.memory_space<vmem>>
    %dma_wait3A_94 = tpu.memref_squeeze %dma_wait3A_93 : memref<1x800xi32, #tpu.memory_space<vmem>> -> memref<800xi32, #tpu.memory_space<vmem>>
    %dma_wait3A_95 = tpu.memref_slice %arg3[%multiple_of3A_90] : memref<819200xi32, #tpu.memory_space<hbm>> -> memref<800xi32, #tpu.memory_space<hbm>>
    %dma_wait3A_96 = arith.constant 0 : i32
    %dma_wait3A_97 = tpu.memref_slice %arg5[%dma_wait3A_91, %dma_wait3A_96] : memref<2x800xi32, #tpu.memory_space<vmem>> -> memref<1x800xi32, #tpu.memory_space<vmem>>
    %dma_wait3A_98 = tpu.memref_squeeze %dma_wait3A_97 : memref<1x800xi32, #tpu.memory_space<vmem>> -> memref<800xi32, #tpu.memory_space<vmem>>
    %dma_wait3A_99 = tpu.memref_slice %arg3[%multiple_of3A_90] : memref<819200xi32, #tpu.memory_space<hbm>> -> memref<800xi32, #tpu.memory_space<hbm>>
    tpu.wait_dma2 semaphore(%arg8 : memref<!tpu.dma_semaphore, #tpu.memory_space<semaphore_mem>>) src(%dma_wait3A_99 : memref<800xi32, #tpu.memory_space<hbm>>) dst(%dma_wait3A_98 : memref<800xi32, #tpu.memory_space<vmem>>)
    %dma_start3A_100 = arith.constant 1 : i32
    %dma_start3A_101 = arith.constant 1 : i32
    %dma_start3A_102 = arith.constant 0 : i32
    %dma_start3A_103 = arith.constant 0 : i32
    %dma_start3A_104 = tpu.memref_slice %arg6[%dma_start3A_101, %dma_start3A_102, %dma_start3A_103] : memref<2x800x64xf32, #tpu.memory_space<vmem>> -> memref<1x800x64xf32, #tpu.memory_space<vmem>>
    %dma_start3A_105 = tpu.memref_squeeze %dma_start3A_104 : memref<1x800x64xf32, #tpu.memory_space<vmem>> -> memref<800x64xf32, #tpu.memory_space<vmem>>
    %dma_start3A_106 = arith.constant 0 : i32
    %dma_start3A_107 = tpu.memref_slice %arg5[%dma_start3A_100, %dma_start3A_106] : memref<2x800xi32, #tpu.memory_space<vmem>> -> memref<1x800xi32, #tpu.memory_space<vmem>>
    %dma_start3A_108 = tpu.memref_squeeze %dma_start3A_107 : memref<1x800xi32, #tpu.memory_space<vmem>> -> memref<800xi32, #tpu.memory_space<vmem>>
    %dma_start3A_109 = arith.constant 0 : i32
    %dma_start3A_110 = arith.constant 0 : i32
    %dma_start3A_111 = tpu.memref_slice %arg2[%dma_start3A_109, %dma_start3A_110] : memref<10000x64xf32, #tpu.memory_space<hbm>> -> memref<10000x64xf32, #tpu.memory_space<hbm>>
    tpu.enqueue_indirect_dma source(%dma_start3A_111 : memref<10000x64xf32, #tpu.memory_space<hbm>>) target(%dma_start3A_105 : memref<800x64xf32, #tpu.memory_space<vmem>>) offsets(%dma_start3A_108 : memref<800xi32, #tpu.memory_space<vmem>>) semaphore(%arg10 : memref<!tpu.dma_semaphore, #tpu.memory_space<semaphore_mem>>)
    %dma_wait3A_112 = arith.constant 1 : i32
    %dma_wait3A_113 = arith.constant 1 : i32
    %dma_wait3A_114 = arith.constant 0 : i32
    %dma_wait3A_115 = arith.constant 0 : i32
    %dma_wait3A_116 = tpu.memref_slice %arg6[%dma_wait3A_113, %dma_wait3A_114, %dma_wait3A_115] : memref<2x800x64xf32, #tpu.memory_space<vmem>> -> memref<1x800x64xf32, #tpu.memory_space<vmem>>
    %dma_wait3A_117 = tpu.memref_squeeze %dma_wait3A_116 : memref<1x800x64xf32, #tpu.memory_space<vmem>> -> memref<800x64xf32, #tpu.memory_space<vmem>>
    %dma_wait3A_118 = arith.constant 0 : i32
    %dma_wait3A_119 = tpu.memref_slice %arg5[%dma_wait3A_112, %dma_wait3A_118] : memref<2x800xi32, #tpu.memory_space<vmem>> -> memref<1x800xi32, #tpu.memory_space<vmem>>
    %dma_wait3A_120 = tpu.memref_squeeze %dma_wait3A_119 : memref<1x800xi32, #tpu.memory_space<vmem>> -> memref<800xi32, #tpu.memory_space<vmem>>
    %dma_wait3A_121 = arith.constant 0 : i32
    %dma_wait3A_122 = arith.constant 0 : i32
    %dma_wait3A_123 = tpu.memref_slice %arg2[%dma_wait3A_121, %dma_wait3A_122] : memref<10000x64xf32, #tpu.memory_space<hbm>> -> memref<10000x64xf32, #tpu.memory_space<hbm>>
    tpu.wait_indirect_dma semaphore(%arg10 : memref<!tpu.dma_semaphore, #tpu.memory_space<semaphore_mem>>) src(%dma_wait3A_123 : memref<10000x64xf32, #tpu.memory_space<hbm>>) dst(%dma_wait3A_117 : memref<800x64xf32, #tpu.memory_space<vmem>>)
    %add3A_124 = arith.constant 800 : i32
    %add3A_125 = arith.addi %mul3A_2, %add3A_124 : i32
    %multiple_of3A_126 = tpu.assume_multiple %add3A_125, 8 : i32
    %dma_start3A_127 = arith.constant 1 : i32
    %dma_start3A_128 = arith.constant 0 : i32
    %dma_start3A_129 = arith.constant 0 : i32
    %dma_start3A_130 = tpu.memref_slice %arg6[%dma_start3A_127, %dma_start3A_128, %dma_start3A_129] : memref<2x800x64xf32, #tpu.memory_space<vmem>> -> memref<1x800x64xf32, #tpu.memory_space<vmem>>
    %dma_start3A_131 = tpu.memref_squeeze %dma_start3A_130 : memref<1x800x64xf32, #tpu.memory_space<vmem>> -> memref<800x64xf32, #tpu.memory_space<vmem>>
    %dma_start3A_132 = arith.constant 0 : i32
    %dma_start3A_133 = tpu.memref_slice %arg4[%multiple_of3A_126, %dma_start3A_132] : memref<819200x64xf32, #tpu.memory_space<hbm>> -> memref<800x64xf32, #tpu.memory_space<hbm>>
    %dma_start3A_134 = arith.constant 0 : i32
    %dma_start3A_135 = tpu.memref_slice %arg4[%multiple_of3A_126, %dma_start3A_134] : memref<819200x64xf32, #tpu.memory_space<hbm>> -> memref<800x64xf32, #tpu.memory_space<hbm>>
    %dma_start3A_136 = arith.constant 0 : i32
    %dma_start3A_137 = arith.constant 0 : i32
    %dma_start3A_138 = tpu.memref_slice %arg6[%dma_start3A_127, %dma_start3A_136, %dma_start3A_137] : memref<2x800x64xf32, #tpu.memory_space<vmem>> -> memref<1x800x64xf32, #tpu.memory_space<vmem>>
    %dma_start3A_139 = tpu.memref_squeeze %dma_start3A_138 : memref<1x800x64xf32, #tpu.memory_space<vmem>> -> memref<800x64xf32, #tpu.memory_space<vmem>>
    tpu.enqueue_dma source(%dma_start3A_139 : memref<800x64xf32, #tpu.memory_space<vmem>>) target(%dma_start3A_135 : memref<800x64xf32, #tpu.memory_space<hbm>>) target_semaphore(%arg12 : memref<!tpu.dma_semaphore, #tpu.memory_space<semaphore_mem>>)
    %add3A_140 = arith.constant 2400 : i32
    %add3A_141 = arith.addi %mul3A_2, %add3A_140 : i32
    %multiple_of3A_142 = tpu.assume_multiple %add3A_141, 8 : i32
    %dma_start3A_143 = arith.constant 1 : i32
    %dma_start3A_144 = arith.constant 0 : i32
    %dma_start3A_145 = tpu.memref_slice %arg5[%dma_start3A_143, %dma_start3A_144] : memref<2x800xi32, #tpu.memory_space<vmem>> -> memref<1x800xi32, #tpu.memory_space<vmem>>
    %dma_start3A_146 = tpu.memref_squeeze %dma_start3A_145 : memref<1x800xi32, #tpu.memory_space<vmem>> -> memref<800xi32, #tpu.memory_space<vmem>>
    %dma_start3A_147 = tpu.memref_slice %arg3[%multiple_of3A_142] : memref<819200xi32, #tpu.memory_space<hbm>> -> memref<800xi32, #tpu.memory_space<hbm>>
    %dma_start3A_148 = arith.constant 0 : i32
    %dma_start3A_149 = tpu.memref_slice %arg5[%dma_start3A_143, %dma_start3A_148] : memref<2x800xi32, #tpu.memory_space<vmem>> -> memref<1x800xi32, #tpu.memory_space<vmem>>
    %dma_start3A_150 = tpu.memref_squeeze %dma_start3A_149 : memref<1x800xi32, #tpu.memory_space<vmem>> -> memref<800xi32, #tpu.memory_space<vmem>>
    %dma_start3A_151 = tpu.memref_slice %arg3[%multiple_of3A_142] : memref<819200xi32, #tpu.memory_space<hbm>> -> memref<800xi32, #tpu.memory_space<hbm>>
    tpu.enqueue_dma source(%dma_start3A_151 : memref<800xi32, #tpu.memory_space<hbm>>) target(%dma_start3A_150 : memref<800xi32, #tpu.memory_space<vmem>>) target_semaphore(%arg8 : memref<!tpu.dma_semaphore, #tpu.memory_space<semaphore_mem>>)
    %scan3A = arith.constant 0 : i32
    %scan3A_152 = arith.constant 1 : i32
    %scan3A_153 = arith.constant 14 : i32
    %scan3A_154 = arith.addi %scan3A_152, %scan3A_153 : i32
    %scan3A_155 = arith.constant 1 : i32
    scf.for %scan3A_325 = %scan3A_152 to %scan3A_154 step %scan3A_155  : i32 {
      %mul3A_326 = arith.constant 2 : i32
      %mul3A_327 = arith.muli %mul3A_326, %scan3A_325 : i32
      %add3A_328 = arith.constant 0 : i32
      %add3A_329 = arith.addi %mul3A_327, %add3A_328 : i32
      %mul3A_330 = arith.constant 800 : i32
      %mul3A_331 = arith.muli %add3A_329, %mul3A_330 : i32
      %add3A_332 = arith.addi %mul3A_2, %mul3A_331 : i32
      %multiple_of3A_333 = tpu.assume_multiple %add3A_332, 8 : i32
      %dma_wait3A_334 = arith.constant 0 : i32
      %dma_wait3A_335 = arith.constant 0 : i32
      %dma_wait3A_336 = tpu.memref_slice %arg5[%dma_wait3A_334, %dma_wait3A_335] : memref<2x800xi32, #tpu.memory_space<vmem>> -> memref<1x800xi32, #tpu.memory_space<vmem>>
      %dma_wait3A_337 = tpu.memref_squeeze %dma_wait3A_336 : memref<1x800xi32, #tpu.memory_space<vmem>> -> memref<800xi32, #tpu.memory_space<vmem>>
      %dma_wait3A_338 = tpu.memref_slice %arg3[%multiple_of3A_333] : memref<819200xi32, #tpu.memory_space<hbm>> -> memref<800xi32, #tpu.memory_space<hbm>>
      %dma_wait3A_339 = arith.constant 0 : i32
      %dma_wait3A_340 = tpu.memref_slice %arg5[%dma_wait3A_334, %dma_wait3A_339] : memref<2x800xi32, #tpu.memory_space<vmem>> -> memref<1x800xi32, #tpu.memory_space<vmem>>
      %dma_wait3A_341 = tpu.memref_squeeze %dma_wait3A_340 : memref<1x800xi32, #tpu.memory_space<vmem>> -> memref<800xi32, #tpu.memory_space<vmem>>
      %dma_wait3A_342 = tpu.memref_slice %arg3[%multiple_of3A_333] : memref<819200xi32, #tpu.memory_space<hbm>> -> memref<800xi32, #tpu.memory_space<hbm>>
      tpu.wait_dma2 semaphore(%arg7 : memref<!tpu.dma_semaphore, #tpu.memory_space<semaphore_mem>>) src(%dma_wait3A_342 : memref<800xi32, #tpu.memory_space<hbm>>) dst(%dma_wait3A_341 : memref<800xi32, #tpu.memory_space<vmem>>)
      %sub3A = arith.constant 2 : i32
      %sub3A_343 = arith.subi %add3A_329, %sub3A : i32
      %mul3A_344 = arith.constant 800 : i32
      %mul3A_345 = arith.muli %sub3A_343, %mul3A_344 : i32
      %add3A_346 = arith.addi %mul3A_2, %mul3A_345 : i32
      %multiple_of3A_347 = tpu.assume_multiple %add3A_346, 8 : i32
      %dma_wait3A_348 = arith.constant 0 : i32
      %dma_wait3A_349 = arith.constant 0 : i32
      %dma_wait3A_350 = arith.constant 0 : i32
      %dma_wait3A_351 = tpu.memref_slice %arg6[%dma_wait3A_348, %dma_wait3A_349, %dma_wait3A_350] : memref<2x800x64xf32, #tpu.memory_space<vmem>> -> memref<1x800x64xf32, #tpu.memory_space<vmem>>
      %dma_wait3A_352 = tpu.memref_squeeze %dma_wait3A_351 : memref<1x800x64xf32, #tpu.memory_space<vmem>> -> memref<800x64xf32, #tpu.memory_space<vmem>>
      %dma_wait3A_353 = arith.constant 0 : i32
      %dma_wait3A_354 = tpu.memref_slice %arg4[%multiple_of3A_347, %dma_wait3A_353] : memref<819200x64xf32, #tpu.memory_space<hbm>> -> memref<800x64xf32, #tpu.memory_space<hbm>>
      %dma_wait3A_355 = arith.constant 0 : i32
      %dma_wait3A_356 = tpu.memref_slice %arg4[%multiple_of3A_347, %dma_wait3A_355] : memref<819200x64xf32, #tpu.memory_space<hbm>> -> memref<800x64xf32, #tpu.memory_space<hbm>>
      %dma_wait3A_357 = arith.constant 0 : i32
      %dma_wait3A_358 = arith.constant 0 : i32
      %dma_wait3A_359 = tpu.memref_slice %arg6[%dma_wait3A_348, %dma_wait3A_357, %dma_wait3A_358] : memref<2x800x64xf32, #tpu.memory_space<vmem>> -> memref<1x800x64xf32, #tpu.memory_space<vmem>>
      %dma_wait3A_360 = tpu.memref_squeeze %dma_wait3A_359 : memref<1x800x64xf32, #tpu.memory_space<vmem>> -> memref<800x64xf32, #tpu.memory_space<vmem>>
      tpu.wait_dma2 semaphore(%arg11 : memref<!tpu.dma_semaphore, #tpu.memory_space<semaphore_mem>>) src(%dma_wait3A_360 : memref<800x64xf32, #tpu.memory_space<vmem>>) dst(%dma_wait3A_356 : memref<800x64xf32, #tpu.memory_space<hbm>>)
      %dma_start3A_361 = arith.constant 0 : i32
      %dma_start3A_362 = arith.constant 0 : i32
      %dma_start3A_363 = arith.constant 0 : i32
      %dma_start3A_364 = arith.constant 0 : i32
      %dma_start3A_365 = tpu.memref_slice %arg6[%dma_start3A_362, %dma_start3A_363, %dma_start3A_364] : memref<2x800x64xf32, #tpu.memory_space<vmem>> -> memref<1x800x64xf32, #tpu.memory_space<vmem>>
      %dma_start3A_366 = tpu.memref_squeeze %dma_start3A_365 : memref<1x800x64xf32, #tpu.memory_space<vmem>> -> memref<800x64xf32, #tpu.memory_space<vmem>>
      %dma_start3A_367 = arith.constant 0 : i32
      %dma_start3A_368 = tpu.memref_slice %arg5[%dma_start3A_361, %dma_start3A_367] : memref<2x800xi32, #tpu.memory_space<vmem>> -> memref<1x800xi32, #tpu.memory_space<vmem>>
      %dma_start3A_369 = tpu.memref_squeeze %dma_start3A_368 : memref<1x800xi32, #tpu.memory_space<vmem>> -> memref<800xi32, #tpu.memory_space<vmem>>
      %dma_start3A_370 = arith.constant 0 : i32
      %dma_start3A_371 = arith.constant 0 : i32
      %dma_start3A_372 = tpu.memref_slice %arg2[%dma_start3A_370, %dma_start3A_371] : memref<10000x64xf32, #tpu.memory_space<hbm>> -> memref<10000x64xf32, #tpu.memory_space<hbm>>
      tpu.enqueue_indirect_dma source(%dma_start3A_372 : memref<10000x64xf32, #tpu.memory_space<hbm>>) target(%dma_start3A_366 : memref<800x64xf32, #tpu.memory_space<vmem>>) offsets(%dma_start3A_369 : memref<800xi32, #tpu.memory_space<vmem>>) semaphore(%arg9 : memref<!tpu.dma_semaphore, #tpu.memory_space<semaphore_mem>>)
      %dma_wait3A_373 = arith.constant 0 : i32
      %dma_wait3A_374 = arith.constant 0 : i32
      %dma_wait3A_375 = arith.constant 0 : i32
      %dma_wait3A_376 = arith.constant 0 : i32
      %dma_wait3A_377 = tpu.memref_slice %arg6[%dma_wait3A_374, %dma_wait3A_375, %dma_wait3A_376] : memref<2x800x64xf32, #tpu.memory_space<vmem>> -> memref<1x800x64xf32, #tpu.memory_space<vmem>>
      %dma_wait3A_378 = tpu.memref_squeeze %dma_wait3A_377 : memref<1x800x64xf32, #tpu.memory_space<vmem>> -> memref<800x64xf32, #tpu.memory_space<vmem>>
      %dma_wait3A_379 = arith.constant 0 : i32
      %dma_wait3A_380 = tpu.memref_slice %arg5[%dma_wait3A_373, %dma_wait3A_379] : memref<2x800xi32, #tpu.memory_space<vmem>> -> memref<1x800xi32, #tpu.memory_space<vmem>>
      %dma_wait3A_381 = tpu.memref_squeeze %dma_wait3A_380 : memref<1x800xi32, #tpu.memory_space<vmem>> -> memref<800xi32, #tpu.memory_space<vmem>>
      %dma_wait3A_382 = arith.constant 0 : i32
      %dma_wait3A_383 = arith.constant 0 : i32
      %dma_wait3A_384 = tpu.memref_slice %arg2[%dma_wait3A_382, %dma_wait3A_383] : memref<10000x64xf32, #tpu.memory_space<hbm>> -> memref<10000x64xf32, #tpu.memory_space<hbm>>
      tpu.wait_indirect_dma semaphore(%arg9 : memref<!tpu.dma_semaphore, #tpu.memory_space<semaphore_mem>>) src(%dma_wait3A_384 : memref<10000x64xf32, #tpu.memory_space<hbm>>) dst(%dma_wait3A_378 : memref<800x64xf32, #tpu.memory_space<vmem>>)
      %mul3A_385 = arith.constant 800 : i32
      %mul3A_386 = arith.muli %add3A_329, %mul3A_385 : i32
      %add3A_387 = arith.addi %mul3A_2, %mul3A_386 : i32
      %multiple_of3A_388 = tpu.assume_multiple %add3A_387, 8 : i32
      %dma_start3A_389 = arith.constant 0 : i32
      %dma_start3A_390 = arith.constant 0 : i32
      %dma_start3A_391 = arith.constant 0 : i32
      %dma_start3A_392 = tpu.memref_slice %arg6[%dma_start3A_389, %dma_start3A_390, %dma_start3A_391] : memref<2x800x64xf32, #tpu.memory_space<vmem>> -> memref<1x800x64xf32, #tpu.memory_space<vmem>>
      %dma_start3A_393 = tpu.memref_squeeze %dma_start3A_392 : memref<1x800x64xf32, #tpu.memory_space<vmem>> -> memref<800x64xf32, #tpu.memory_space<vmem>>
      %dma_start3A_394 = arith.constant 0 : i32
      %dma_start3A_395 = tpu.memref_slice %arg4[%multiple_of3A_388, %dma_start3A_394] : memref<819200x64xf32, #tpu.memory_space<hbm>> -> memref<800x64xf32, #tpu.memory_space<hbm>>
      %dma_start3A_396 = arith.constant 0 : i32
      %dma_start3A_397 = tpu.memref_slice %arg4[%multiple_of3A_388, %dma_start3A_396] : memref<819200x64xf32, #tpu.memory_space<hbm>> -> memref<800x64xf32, #tpu.memory_space<hbm>>
      %dma_start3A_398 = arith.constant 0 : i32
      %dma_start3A_399 = arith.constant 0 : i32
      %dma_start3A_400 = tpu.memref_slice %arg6[%dma_start3A_389, %dma_start3A_398, %dma_start3A_399] : memref<2x800x64xf32, #tpu.memory_space<vmem>> -> memref<1x800x64xf32, #tpu.memory_space<vmem>>
      %dma_start3A_401 = tpu.memref_squeeze %dma_start3A_400 : memref<1x800x64xf32, #tpu.memory_space<vmem>> -> memref<800x64xf32, #tpu.memory_space<vmem>>
      tpu.enqueue_dma source(%dma_start3A_401 : memref<800x64xf32, #tpu.memory_space<vmem>>) target(%dma_start3A_397 : memref<800x64xf32, #tpu.memory_space<hbm>>) target_semaphore(%arg11 : memref<!tpu.dma_semaphore, #tpu.memory_space<semaphore_mem>>)
      %add3A_402 = arith.constant 2 : i32
      %add3A_403 = arith.addi %add3A_329, %add3A_402 : i32
      %mul3A_404 = arith.constant 800 : i32
      %mul3A_405 = arith.muli %add3A_403, %mul3A_404 : i32
      %add3A_406 = arith.addi %mul3A_2, %mul3A_405 : i32
      %multiple_of3A_407 = tpu.assume_multiple %add3A_406, 8 : i32
      %dma_start3A_408 = arith.constant 0 : i32
      %dma_start3A_409 = arith.constant 0 : i32
      %dma_start3A_410 = tpu.memref_slice %arg5[%dma_start3A_408, %dma_start3A_409] : memref<2x800xi32, #tpu.memory_space<vmem>> -> memref<1x800xi32, #tpu.memory_space<vmem>>
      %dma_start3A_411 = tpu.memref_squeeze %dma_start3A_410 : memref<1x800xi32, #tpu.memory_space<vmem>> -> memref<800xi32, #tpu.memory_space<vmem>>
      %dma_start3A_412 = tpu.memref_slice %arg3[%multiple_of3A_407] : memref<819200xi32, #tpu.memory_space<hbm>> -> memref<800xi32, #tpu.memory_space<hbm>>
      %dma_start3A_413 = arith.constant 0 : i32
      %dma_start3A_414 = tpu.memref_slice %arg5[%dma_start3A_408, %dma_start3A_413] : memref<2x800xi32, #tpu.memory_space<vmem>> -> memref<1x800xi32, #tpu.memory_space<vmem>>
      %dma_start3A_415 = tpu.memref_squeeze %dma_start3A_414 : memref<1x800xi32, #tpu.memory_space<vmem>> -> memref<800xi32, #tpu.memory_space<vmem>>
      %dma_start3A_416 = tpu.memref_slice %arg3[%multiple_of3A_407] : memref<819200xi32, #tpu.memory_space<hbm>> -> memref<800xi32, #tpu.memory_space<hbm>>
      tpu.enqueue_dma source(%dma_start3A_416 : memref<800xi32, #tpu.memory_space<hbm>>) target(%dma_start3A_415 : memref<800xi32, #tpu.memory_space<vmem>>) target_semaphore(%arg7 : memref<!tpu.dma_semaphore, #tpu.memory_space<semaphore_mem>>)
      %mul3A_417 = arith.constant 2 : i32
      %mul3A_418 = arith.muli %mul3A_417, %scan3A_325 : i32
      %add3A_419 = arith.constant 1 : i32
      %add3A_420 = arith.addi %mul3A_418, %add3A_419 : i32
      %mul3A_421 = arith.constant 800 : i32
      %mul3A_422 = arith.muli %add3A_420, %mul3A_421 : i32
      %add3A_423 = arith.addi %mul3A_2, %mul3A_422 : i32
      %multiple_of3A_424 = tpu.assume_multiple %add3A_423, 8 : i32
      %dma_wait3A_425 = arith.constant 1 : i32
      %dma_wait3A_426 = arith.constant 0 : i32
      %dma_wait3A_427 = tpu.memref_slice %arg5[%dma_wait3A_425, %dma_wait3A_426] : memref<2x800xi32, #tpu.memory_space<vmem>> -> memref<1x800xi32, #tpu.memory_space<vmem>>
      %dma_wait3A_428 = tpu.memref_squeeze %dma_wait3A_427 : memref<1x800xi32, #tpu.memory_space<vmem>> -> memref<800xi32, #tpu.memory_space<vmem>>
      %dma_wait3A_429 = tpu.memref_slice %arg3[%multiple_of3A_424] : memref<819200xi32, #tpu.memory_space<hbm>> -> memref<800xi32, #tpu.memory_space<hbm>>
      %dma_wait3A_430 = arith.constant 0 : i32
      %dma_wait3A_431 = tpu.memref_slice %arg5[%dma_wait3A_425, %dma_wait3A_430] : memref<2x800xi32, #tpu.memory_space<vmem>> -> memref<1x800xi32, #tpu.memory_space<vmem>>
      %dma_wait3A_432 = tpu.memref_squeeze %dma_wait3A_431 : memref<1x800xi32, #tpu.memory_space<vmem>> -> memref<800xi32, #tpu.memory_space<vmem>>
      %dma_wait3A_433 = tpu.memref_slice %arg3[%multiple_of3A_424] : memref<819200xi32, #tpu.memory_space<hbm>> -> memref<800xi32, #tpu.memory_space<hbm>>
      tpu.wait_dma2 semaphore(%arg8 : memref<!tpu.dma_semaphore, #tpu.memory_space<semaphore_mem>>) src(%dma_wait3A_433 : memref<800xi32, #tpu.memory_space<hbm>>) dst(%dma_wait3A_432 : memref<800xi32, #tpu.memory_space<vmem>>)
      %sub3A_434 = arith.constant 2 : i32
      %sub3A_435 = arith.subi %add3A_420, %sub3A_434 : i32
      %mul3A_436 = arith.constant 800 : i32
      %mul3A_437 = arith.muli %sub3A_435, %mul3A_436 : i32
      %add3A_438 = arith.addi %mul3A_2, %mul3A_437 : i32
      %multiple_of3A_439 = tpu.assume_multiple %add3A_438, 8 : i32
      %dma_wait3A_440 = arith.constant 1 : i32
      %dma_wait3A_441 = arith.constant 0 : i32
      %dma_wait3A_442 = arith.constant 0 : i32
      %dma_wait3A_443 = tpu.memref_slice %arg6[%dma_wait3A_440, %dma_wait3A_441, %dma_wait3A_442] : memref<2x800x64xf32, #tpu.memory_space<vmem>> -> memref<1x800x64xf32, #tpu.memory_space<vmem>>
      %dma_wait3A_444 = tpu.memref_squeeze %dma_wait3A_443 : memref<1x800x64xf32, #tpu.memory_space<vmem>> -> memref<800x64xf32, #tpu.memory_space<vmem>>
      %dma_wait3A_445 = arith.constant 0 : i32
      %dma_wait3A_446 = tpu.memref_slice %arg4[%multiple_of3A_439, %dma_wait3A_445] : memref<819200x64xf32, #tpu.memory_space<hbm>> -> memref<800x64xf32, #tpu.memory_space<hbm>>
      %dma_wait3A_447 = arith.constant 0 : i32
      %dma_wait3A_448 = tpu.memref_slice %arg4[%multiple_of3A_439, %dma_wait3A_447] : memref<819200x64xf32, #tpu.memory_space<hbm>> -> memref<800x64xf32, #tpu.memory_space<hbm>>
      %dma_wait3A_449 = arith.constant 0 : i32
      %dma_wait3A_450 = arith.constant 0 : i32
      %dma_wait3A_451 = tpu.memref_slice %arg6[%dma_wait3A_440, %dma_wait3A_449, %dma_wait3A_450] : memref<2x800x64xf32, #tpu.memory_space<vmem>> -> memref<1x800x64xf32, #tpu.memory_space<vmem>>
      %dma_wait3A_452 = tpu.memref_squeeze %dma_wait3A_451 : memref<1x800x64xf32, #tpu.memory_space<vmem>> -> memref<800x64xf32, #tpu.memory_space<vmem>>
      tpu.wait_dma2 semaphore(%arg12 : memref<!tpu.dma_semaphore, #tpu.memory_space<semaphore_mem>>) src(%dma_wait3A_452 : memref<800x64xf32, #tpu.memory_space<vmem>>) dst(%dma_wait3A_448 : memref<800x64xf32, #tpu.memory_space<hbm>>)
      %dma_start3A_453 = arith.constant 1 : i32
      %dma_start3A_454 = arith.constant 1 : i32
      %dma_start3A_455 = arith.constant 0 : i32
      %dma_start3A_456 = arith.constant 0 : i32
      %dma_start3A_457 = tpu.memref_slice %arg6[%dma_start3A_454, %dma_start3A_455, %dma_start3A_456] : memref<2x800x64xf32, #tpu.memory_space<vmem>> -> memref<1x800x64xf32, #tpu.memory_space<vmem>>
      %dma_start3A_458 = tpu.memref_squeeze %dma_start3A_457 : memref<1x800x64xf32, #tpu.memory_space<vmem>> -> memref<800x64xf32, #tpu.memory_space<vmem>>
      %dma_start3A_459 = arith.constant 0 : i32
      %dma_start3A_460 = tpu.memref_slice %arg5[%dma_start3A_453, %dma_start3A_459] : memref<2x800xi32, #tpu.memory_space<vmem>> -> memref<1x800xi32, #tpu.memory_space<vmem>>
      %dma_start3A_461 = tpu.memref_squeeze %dma_start3A_460 : memref<1x800xi32, #tpu.memory_space<vmem>> -> memref<800xi32, #tpu.memory_space<vmem>>
      %dma_start3A_462 = arith.constant 0 : i32
      %dma_start3A_463 = arith.constant 0 : i32
      %dma_start3A_464 = tpu.memref_slice %arg2[%dma_start3A_462, %dma_start3A_463] : memref<10000x64xf32, #tpu.memory_space<hbm>> -> memref<10000x64xf32, #tpu.memory_space<hbm>>
      tpu.enqueue_indirect_dma source(%dma_start3A_464 : memref<10000x64xf32, #tpu.memory_space<hbm>>) target(%dma_start3A_458 : memref<800x64xf32, #tpu.memory_space<vmem>>) offsets(%dma_start3A_461 : memref<800xi32, #tpu.memory_space<vmem>>) semaphore(%arg10 : memref<!tpu.dma_semaphore, #tpu.memory_space<semaphore_mem>>)
      %dma_wait3A_465 = arith.constant 1 : i32
      %dma_wait3A_466 = arith.constant 1 : i32
      %dma_wait3A_467 = arith.constant 0 : i32
      %dma_wait3A_468 = arith.constant 0 : i32
      %dma_wait3A_469 = tpu.memref_slice %arg6[%dma_wait3A_466, %dma_wait3A_467, %dma_wait3A_468] : memref<2x800x64xf32, #tpu.memory_space<vmem>> -> memref<1x800x64xf32, #tpu.memory_space<vmem>>
      %dma_wait3A_470 = tpu.memref_squeeze %dma_wait3A_469 : memref<1x800x64xf32, #tpu.memory_space<vmem>> -> memref<800x64xf32, #tpu.memory_space<vmem>>
      %dma_wait3A_471 = arith.constant 0 : i32
      %dma_wait3A_472 = tpu.memref_slice %arg5[%dma_wait3A_465, %dma_wait3A_471] : memref<2x800xi32, #tpu.memory_space<vmem>> -> memref<1x800xi32, #tpu.memory_space<vmem>>
      %dma_wait3A_473 = tpu.memref_squeeze %dma_wait3A_472 : memref<1x800xi32, #tpu.memory_space<vmem>> -> memref<800xi32, #tpu.memory_space<vmem>>
      %dma_wait3A_474 = arith.constant 0 : i32
      %dma_wait3A_475 = arith.constant 0 : i32
      %dma_wait3A_476 = tpu.memref_slice %arg2[%dma_wait3A_474, %dma_wait3A_475] : memref<10000x64xf32, #tpu.memory_space<hbm>> -> memref<10000x64xf32, #tpu.memory_space<hbm>>
      tpu.wait_indirect_dma semaphore(%arg10 : memref<!tpu.dma_semaphore, #tpu.memory_space<semaphore_mem>>) src(%dma_wait3A_476 : memref<10000x64xf32, #tpu.memory_space<hbm>>) dst(%dma_wait3A_470 : memref<800x64xf32, #tpu.memory_space<vmem>>)
      %mul3A_477 = arith.constant 800 : i32
      %mul3A_478 = arith.muli %add3A_420, %mul3A_477 : i32
      %add3A_479 = arith.addi %mul3A_2, %mul3A_478 : i32
      %multiple_of3A_480 = tpu.assume_multiple %add3A_479, 8 : i32
      %dma_start3A_481 = arith.constant 1 : i32
      %dma_start3A_482 = arith.constant 0 : i32
      %dma_start3A_483 = arith.constant 0 : i32
      %dma_start3A_484 = tpu.memref_slice %arg6[%dma_start3A_481, %dma_start3A_482, %dma_start3A_483] : memref<2x800x64xf32, #tpu.memory_space<vmem>> -> memref<1x800x64xf32, #tpu.memory_space<vmem>>
      %dma_start3A_485 = tpu.memref_squeeze %dma_start3A_484 : memref<1x800x64xf32, #tpu.memory_space<vmem>> -> memref<800x64xf32, #tpu.memory_space<vmem>>
      %dma_start3A_486 = arith.constant 0 : i32
      %dma_start3A_487 = tpu.memref_slice %arg4[%multiple_of3A_480, %dma_start3A_486] : memref<819200x64xf32, #tpu.memory_space<hbm>> -> memref<800x64xf32, #tpu.memory_space<hbm>>
      %dma_start3A_488 = arith.constant 0 : i32
      %dma_start3A_489 = tpu.memref_slice %arg4[%multiple_of3A_480, %dma_start3A_488] : memref<819200x64xf32, #tpu.memory_space<hbm>> -> memref<800x64xf32, #tpu.memory_space<hbm>>
      %dma_start3A_490 = arith.constant 0 : i32
      %dma_start3A_491 = arith.constant 0 : i32
      %dma_start3A_492 = tpu.memref_slice %arg6[%dma_start3A_481, %dma_start3A_490, %dma_start3A_491] : memref<2x800x64xf32, #tpu.memory_space<vmem>> -> memref<1x800x64xf32, #tpu.memory_space<vmem>>
      %dma_start3A_493 = tpu.memref_squeeze %dma_start3A_492 : memref<1x800x64xf32, #tpu.memory_space<vmem>> -> memref<800x64xf32, #tpu.memory_space<vmem>>
      tpu.enqueue_dma source(%dma_start3A_493 : memref<800x64xf32, #tpu.memory_space<vmem>>) target(%dma_start3A_489 : memref<800x64xf32, #tpu.memory_space<hbm>>) target_semaphore(%arg12 : memref<!tpu.dma_semaphore, #tpu.memory_space<semaphore_mem>>)
      %add3A_494 = arith.constant 2 : i32
      %add3A_495 = arith.addi %add3A_420, %add3A_494 : i32
      %mul3A_496 = arith.constant 800 : i32
      %mul3A_497 = arith.muli %add3A_495, %mul3A_496 : i32
      %add3A_498 = arith.addi %mul3A_2, %mul3A_497 : i32
      %multiple_of3A_499 = tpu.assume_multiple %add3A_498, 8 : i32
      %dma_start3A_500 = arith.constant 1 : i32
      %dma_start3A_501 = arith.constant 0 : i32
      %dma_start3A_502 = tpu.memref_slice %arg5[%dma_start3A_500, %dma_start3A_501] : memref<2x800xi32, #tpu.memory_space<vmem>> -> memref<1x800xi32, #tpu.memory_space<vmem>>
      %dma_start3A_503 = tpu.memref_squeeze %dma_start3A_502 : memref<1x800xi32, #tpu.memory_space<vmem>> -> memref<800xi32, #tpu.memory_space<vmem>>
      %dma_start3A_504 = tpu.memref_slice %arg3[%multiple_of3A_499] : memref<819200xi32, #tpu.memory_space<hbm>> -> memref<800xi32, #tpu.memory_space<hbm>>
      %dma_start3A_505 = arith.constant 0 : i32
      %dma_start3A_506 = tpu.memref_slice %arg5[%dma_start3A_500, %dma_start3A_505] : memref<2x800xi32, #tpu.memory_space<vmem>> -> memref<1x800xi32, #tpu.memory_space<vmem>>
      %dma_start3A_507 = tpu.memref_squeeze %dma_start3A_506 : memref<1x800xi32, #tpu.memory_space<vmem>> -> memref<800xi32, #tpu.memory_space<vmem>>
      %dma_start3A_508 = tpu.memref_slice %arg3[%multiple_of3A_499] : memref<819200xi32, #tpu.memory_space<hbm>> -> memref<800xi32, #tpu.memory_space<hbm>>
      tpu.enqueue_dma source(%dma_start3A_508 : memref<800xi32, #tpu.memory_space<hbm>>) target(%dma_start3A_507 : memref<800xi32, #tpu.memory_space<vmem>>) target_semaphore(%arg8 : memref<!tpu.dma_semaphore, #tpu.memory_space<semaphore_mem>>)
    }
    %scan3A_156 = arith.constant 14 : i32
    %add3A_157 = arith.constant 24000 : i32
    %add3A_158 = arith.addi %mul3A_2, %add3A_157 : i32
    %multiple_of3A_159 = tpu.assume_multiple %add3A_158, 8 : i32
    %dma_wait3A_160 = arith.constant 0 : i32
    %dma_wait3A_161 = arith.constant 0 : i32
    %dma_wait3A_162 = tpu.memref_slice %arg5[%dma_wait3A_160, %dma_wait3A_161] : memref<2x800xi32, #tpu.memory_space<vmem>> -> memref<1x800xi32, #tpu.memory_space<vmem>>
    %dma_wait3A_163 = tpu.memref_squeeze %dma_wait3A_162 : memref<1x800xi32, #tpu.memory_space<vmem>> -> memref<800xi32, #tpu.memory_space<vmem>>
    %dma_wait3A_164 = tpu.memref_slice %arg3[%multiple_of3A_159] : memref<819200xi32, #tpu.memory_space<hbm>> -> memref<800xi32, #tpu.memory_space<hbm>>
    %dma_wait3A_165 = arith.constant 0 : i32
    %dma_wait3A_166 = tpu.memref_slice %arg5[%dma_wait3A_160, %dma_wait3A_165] : memref<2x800xi32, #tpu.memory_space<vmem>> -> memref<1x800xi32, #tpu.memory_space<vmem>>
    %dma_wait3A_167 = tpu.memref_squeeze %dma_wait3A_166 : memref<1x800xi32, #tpu.memory_space<vmem>> -> memref<800xi32, #tpu.memory_space<vmem>>
    %dma_wait3A_168 = tpu.memref_slice %arg3[%multiple_of3A_159] : memref<819200xi32, #tpu.memory_space<hbm>> -> memref<800xi32, #tpu.memory_space<hbm>>
    tpu.wait_dma2 semaphore(%arg7 : memref<!tpu.dma_semaphore, #tpu.memory_space<semaphore_mem>>) src(%dma_wait3A_168 : memref<800xi32, #tpu.memory_space<hbm>>) dst(%dma_wait3A_167 : memref<800xi32, #tpu.memory_space<vmem>>)
    %add3A_169 = arith.constant 22400 : i32
    %add3A_170 = arith.addi %mul3A_2, %add3A_169 : i32
    %multiple_of3A_171 = tpu.assume_multiple %add3A_170, 8 : i32
    %dma_wait3A_172 = arith.constant 0 : i32
    %dma_wait3A_173 = arith.constant 0 : i32
    %dma_wait3A_174 = arith.constant 0 : i32
    %dma_wait3A_175 = tpu.memref_slice %arg6[%dma_wait3A_172, %dma_wait3A_173, %dma_wait3A_174] : memref<2x800x64xf32, #tpu.memory_space<vmem>> -> memref<1x800x64xf32, #tpu.memory_space<vmem>>
    %dma_wait3A_176 = tpu.memref_squeeze %dma_wait3A_175 : memref<1x800x64xf32, #tpu.memory_space<vmem>> -> memref<800x64xf32, #tpu.memory_space<vmem>>
    %dma_wait3A_177 = arith.constant 0 : i32
    %dma_wait3A_178 = tpu.memref_slice %arg4[%multiple_of3A_171, %dma_wait3A_177] : memref<819200x64xf32, #tpu.memory_space<hbm>> -> memref<800x64xf32, #tpu.memory_space<hbm>>
    %dma_wait3A_179 = arith.constant 0 : i32
    %dma_wait3A_180 = tpu.memref_slice %arg4[%multiple_of3A_171, %dma_wait3A_179] : memref<819200x64xf32, #tpu.memory_space<hbm>> -> memref<800x64xf32, #tpu.memory_space<hbm>>
    %dma_wait3A_181 = arith.constant 0 : i32
    %dma_wait3A_182 = arith.constant 0 : i32
    %dma_wait3A_183 = tpu.memref_slice %arg6[%dma_wait3A_172, %dma_wait3A_181, %dma_wait3A_182] : memref<2x800x64xf32, #tpu.memory_space<vmem>> -> memref<1x800x64xf32, #tpu.memory_space<vmem>>
    %dma_wait3A_184 = tpu.memref_squeeze %dma_wait3A_183 : memref<1x800x64xf32, #tpu.memory_space<vmem>> -> memref<800x64xf32, #tpu.memory_space<vmem>>
    tpu.wait_dma2 semaphore(%arg11 : memref<!tpu.dma_semaphore, #tpu.memory_space<semaphore_mem>>) src(%dma_wait3A_184 : memref<800x64xf32, #tpu.memory_space<vmem>>) dst(%dma_wait3A_180 : memref<800x64xf32, #tpu.memory_space<hbm>>)
    %dma_start3A_185 = arith.constant 0 : i32
    %dma_start3A_186 = arith.constant 0 : i32
    %dma_start3A_187 = arith.constant 0 : i32
    %dma_start3A_188 = arith.constant 0 : i32
    %dma_start3A_189 = tpu.memref_slice %arg6[%dma_start3A_186, %dma_start3A_187, %dma_start3A_188] : memref<2x800x64xf32, #tpu.memory_space<vmem>> -> memref<1x800x64xf32, #tpu.memory_space<vmem>>
    %dma_start3A_190 = tpu.memref_squeeze %dma_start3A_189 : memref<1x800x64xf32, #tpu.memory_space<vmem>> -> memref<800x64xf32, #tpu.memory_space<vmem>>
    %dma_start3A_191 = arith.constant 0 : i32
    %dma_start3A_192 = tpu.memref_slice %arg5[%dma_start3A_185, %dma_start3A_191] : memref<2x800xi32, #tpu.memory_space<vmem>> -> memref<1x800xi32, #tpu.memory_space<vmem>>
    %dma_start3A_193 = tpu.memref_squeeze %dma_start3A_192 : memref<1x800xi32, #tpu.memory_space<vmem>> -> memref<800xi32, #tpu.memory_space<vmem>>
    %dma_start3A_194 = arith.constant 0 : i32
    %dma_start3A_195 = arith.constant 0 : i32
    %dma_start3A_196 = tpu.memref_slice %arg2[%dma_start3A_194, %dma_start3A_195] : memref<10000x64xf32, #tpu.memory_space<hbm>> -> memref<10000x64xf32, #tpu.memory_space<hbm>>
    tpu.enqueue_indirect_dma source(%dma_start3A_196 : memref<10000x64xf32, #tpu.memory_space<hbm>>) target(%dma_start3A_190 : memref<800x64xf32, #tpu.memory_space<vmem>>) offsets(%dma_start3A_193 : memref<800xi32, #tpu.memory_space<vmem>>) semaphore(%arg9 : memref<!tpu.dma_semaphore, #tpu.memory_space<semaphore_mem>>)
    %dma_wait3A_197 = arith.constant 0 : i32
    %dma_wait3A_198 = arith.constant 0 : i32
    %dma_wait3A_199 = arith.constant 0 : i32
    %dma_wait3A_200 = arith.constant 0 : i32
    %dma_wait3A_201 = tpu.memref_slice %arg6[%dma_wait3A_198, %dma_wait3A_199, %dma_wait3A_200] : memref<2x800x64xf32, #tpu.memory_space<vmem>> -> memref<1x800x64xf32, #tpu.memory_space<vmem>>
    %dma_wait3A_202 = tpu.memref_squeeze %dma_wait3A_201 : memref<1x800x64xf32, #tpu.memory_space<vmem>> -> memref<800x64xf32, #tpu.memory_space<vmem>>
    %dma_wait3A_203 = arith.constant 0 : i32
    %dma_wait3A_204 = tpu.memref_slice %arg5[%dma_wait3A_197, %dma_wait3A_203] : memref<2x800xi32, #tpu.memory_space<vmem>> -> memref<1x800xi32, #tpu.memory_space<vmem>>
    %dma_wait3A_205 = tpu.memref_squeeze %dma_wait3A_204 : memref<1x800xi32, #tpu.memory_space<vmem>> -> memref<800xi32, #tpu.memory_space<vmem>>
    %dma_wait3A_206 = arith.constant 0 : i32
    %dma_wait3A_207 = arith.constant 0 : i32
    %dma_wait3A_208 = tpu.memref_slice %arg2[%dma_wait3A_206, %dma_wait3A_207] : memref<10000x64xf32, #tpu.memory_space<hbm>> -> memref<10000x64xf32, #tpu.memory_space<hbm>>
    tpu.wait_indirect_dma semaphore(%arg9 : memref<!tpu.dma_semaphore, #tpu.memory_space<semaphore_mem>>) src(%dma_wait3A_208 : memref<10000x64xf32, #tpu.memory_space<hbm>>) dst(%dma_wait3A_202 : memref<800x64xf32, #tpu.memory_space<vmem>>)
    %add3A_209 = arith.constant 24000 : i32
    %add3A_210 = arith.addi %mul3A_2, %add3A_209 : i32
    %multiple_of3A_211 = tpu.assume_multiple %add3A_210, 8 : i32
    %dma_start3A_212 = arith.constant 0 : i32
    %dma_start3A_213 = arith.constant 0 : i32
    %dma_start3A_214 = arith.constant 0 : i32
    %dma_start3A_215 = tpu.memref_slice %arg6[%dma_start3A_212, %dma_start3A_213, %dma_start3A_214] : memref<2x800x64xf32, #tpu.memory_space<vmem>> -> memref<1x800x64xf32, #tpu.memory_space<vmem>>
    %dma_start3A_216 = tpu.memref_squeeze %dma_start3A_215 : memref<1x800x64xf32, #tpu.memory_space<vmem>> -> memref<800x64xf32, #tpu.memory_space<vmem>>
    %dma_start3A_217 = arith.constant 0 : i32
    %dma_start3A_218 = tpu.memref_slice %arg4[%multiple_of3A_211, %dma_start3A_217] : memref<819200x64xf32, #tpu.memory_space<hbm>> -> memref<800x64xf32, #tpu.memory_space<hbm>>
    %dma_start3A_219 = arith.constant 0 : i32
    %dma_start3A_220 = tpu.memref_slice %arg4[%multiple_of3A_211, %dma_start3A_219] : memref<819200x64xf32, #tpu.memory_space<hbm>> -> memref<800x64xf32, #tpu.memory_space<hbm>>
    %dma_start3A_221 = arith.constant 0 : i32
    %dma_start3A_222 = arith.constant 0 : i32
    %dma_start3A_223 = tpu.memref_slice %arg6[%dma_start3A_212, %dma_start3A_221, %dma_start3A_222] : memref<2x800x64xf32, #tpu.memory_space<vmem>> -> memref<1x800x64xf32, #tpu.memory_space<vmem>>
    %dma_start3A_224 = tpu.memref_squeeze %dma_start3A_223 : memref<1x800x64xf32, #tpu.memory_space<vmem>> -> memref<800x64xf32, #tpu.memory_space<vmem>>
    tpu.enqueue_dma source(%dma_start3A_224 : memref<800x64xf32, #tpu.memory_space<vmem>>) target(%dma_start3A_220 : memref<800x64xf32, #tpu.memory_space<hbm>>) target_semaphore(%arg11 : memref<!tpu.dma_semaphore, #tpu.memory_space<semaphore_mem>>)
    %add3A_225 = arith.constant 24800 : i32
    %add3A_226 = arith.addi %mul3A_2, %add3A_225 : i32
    %multiple_of3A_227 = tpu.assume_multiple %add3A_226, 8 : i32
    %dma_wait3A_228 = arith.constant 1 : i32
    %dma_wait3A_229 = arith.constant 0 : i32
    %dma_wait3A_230 = tpu.memref_slice %arg5[%dma_wait3A_228, %dma_wait3A_229] : memref<2x800xi32, #tpu.memory_space<vmem>> -> memref<1x800xi32, #tpu.memory_space<vmem>>
    %dma_wait3A_231 = tpu.memref_squeeze %dma_wait3A_230 : memref<1x800xi32, #tpu.memory_space<vmem>> -> memref<800xi32, #tpu.memory_space<vmem>>
    %dma_wait3A_232 = tpu.memref_slice %arg3[%multiple_of3A_227] : memref<819200xi32, #tpu.memory_space<hbm>> -> memref<800xi32, #tpu.memory_space<hbm>>
    %dma_wait3A_233 = arith.constant 0 : i32
    %dma_wait3A_234 = tpu.memref_slice %arg5[%dma_wait3A_228, %dma_wait3A_233] : memref<2x800xi32, #tpu.memory_space<vmem>> -> memref<1x800xi32, #tpu.memory_space<vmem>>
    %dma_wait3A_235 = tpu.memref_squeeze %dma_wait3A_234 : memref<1x800xi32, #tpu.memory_space<vmem>> -> memref<800xi32, #tpu.memory_space<vmem>>
    %dma_wait3A_236 = tpu.memref_slice %arg3[%multiple_of3A_227] : memref<819200xi32, #tpu.memory_space<hbm>> -> memref<800xi32, #tpu.memory_space<hbm>>
    tpu.wait_dma2 semaphore(%arg8 : memref<!tpu.dma_semaphore, #tpu.memory_space<semaphore_mem>>) src(%dma_wait3A_236 : memref<800xi32, #tpu.memory_space<hbm>>) dst(%dma_wait3A_235 : memref<800xi32, #tpu.memory_space<vmem>>)
    %add3A_237 = arith.constant 23200 : i32
    %add3A_238 = arith.addi %mul3A_2, %add3A_237 : i32
    %multiple_of3A_239 = tpu.assume_multiple %add3A_238, 8 : i32
    %dma_wait3A_240 = arith.constant 1 : i32
    %dma_wait3A_241 = arith.constant 0 : i32
    %dma_wait3A_242 = arith.constant 0 : i32
    %dma_wait3A_243 = tpu.memref_slice %arg6[%dma_wait3A_240, %dma_wait3A_241, %dma_wait3A_242] : memref<2x800x64xf32, #tpu.memory_space<vmem>> -> memref<1x800x64xf32, #tpu.memory_space<vmem>>
    %dma_wait3A_244 = tpu.memref_squeeze %dma_wait3A_243 : memref<1x800x64xf32, #tpu.memory_space<vmem>> -> memref<800x64xf32, #tpu.memory_space<vmem>>
    %dma_wait3A_245 = arith.constant 0 : i32
    %dma_wait3A_246 = tpu.memref_slice %arg4[%multiple_of3A_239, %dma_wait3A_245] : memref<819200x64xf32, #tpu.memory_space<hbm>> -> memref<800x64xf32, #tpu.memory_space<hbm>>
    %dma_wait3A_247 = arith.constant 0 : i32
    %dma_wait3A_248 = tpu.memref_slice %arg4[%multiple_of3A_239, %dma_wait3A_247] : memref<819200x64xf32, #tpu.memory_space<hbm>> -> memref<800x64xf32, #tpu.memory_space<hbm>>
    %dma_wait3A_249 = arith.constant 0 : i32
    %dma_wait3A_250 = arith.constant 0 : i32
    %dma_wait3A_251 = tpu.memref_slice %arg6[%dma_wait3A_240, %dma_wait3A_249, %dma_wait3A_250] : memref<2x800x64xf32, #tpu.memory_space<vmem>> -> memref<1x800x64xf32, #tpu.memory_space<vmem>>
    %dma_wait3A_252 = tpu.memref_squeeze %dma_wait3A_251 : memref<1x800x64xf32, #tpu.memory_space<vmem>> -> memref<800x64xf32, #tpu.memory_space<vmem>>
    tpu.wait_dma2 semaphore(%arg12 : memref<!tpu.dma_semaphore, #tpu.memory_space<semaphore_mem>>) src(%dma_wait3A_252 : memref<800x64xf32, #tpu.memory_space<vmem>>) dst(%dma_wait3A_248 : memref<800x64xf32, #tpu.memory_space<hbm>>)
    %dma_start3A_253 = arith.constant 1 : i32
    %dma_start3A_254 = arith.constant 1 : i32
    %dma_start3A_255 = arith.constant 0 : i32
    %dma_start3A_256 = arith.constant 0 : i32
    %dma_start3A_257 = tpu.memref_slice %arg6[%dma_start3A_254, %dma_start3A_255, %dma_start3A_256] : memref<2x800x64xf32, #tpu.memory_space<vmem>> -> memref<1x800x64xf32, #tpu.memory_space<vmem>>
    %dma_start3A_258 = tpu.memref_squeeze %dma_start3A_257 : memref<1x800x64xf32, #tpu.memory_space<vmem>> -> memref<800x64xf32, #tpu.memory_space<vmem>>
    %dma_start3A_259 = arith.constant 0 : i32
    %dma_start3A_260 = tpu.memref_slice %arg5[%dma_start3A_253, %dma_start3A_259] : memref<2x800xi32, #tpu.memory_space<vmem>> -> memref<1x800xi32, #tpu.memory_space<vmem>>
    %dma_start3A_261 = tpu.memref_squeeze %dma_start3A_260 : memref<1x800xi32, #tpu.memory_space<vmem>> -> memref<800xi32, #tpu.memory_space<vmem>>
    %dma_start3A_262 = arith.constant 0 : i32
    %dma_start3A_263 = arith.constant 0 : i32
    %dma_start3A_264 = tpu.memref_slice %arg2[%dma_start3A_262, %dma_start3A_263] : memref<10000x64xf32, #tpu.memory_space<hbm>> -> memref<10000x64xf32, #tpu.memory_space<hbm>>
    tpu.enqueue_indirect_dma source(%dma_start3A_264 : memref<10000x64xf32, #tpu.memory_space<hbm>>) target(%dma_start3A_258 : memref<800x64xf32, #tpu.memory_space<vmem>>) offsets(%dma_start3A_261 : memref<800xi32, #tpu.memory_space<vmem>>) semaphore(%arg10 : memref<!tpu.dma_semaphore, #tpu.memory_space<semaphore_mem>>)
    %dma_wait3A_265 = arith.constant 1 : i32
    %dma_wait3A_266 = arith.constant 1 : i32
    %dma_wait3A_267 = arith.constant 0 : i32
    %dma_wait3A_268 = arith.constant 0 : i32
    %dma_wait3A_269 = tpu.memref_slice %arg6[%dma_wait3A_266, %dma_wait3A_267, %dma_wait3A_268] : memref<2x800x64xf32, #tpu.memory_space<vmem>> -> memref<1x800x64xf32, #tpu.memory_space<vmem>>
    %dma_wait3A_270 = tpu.memref_squeeze %dma_wait3A_269 : memref<1x800x64xf32, #tpu.memory_space<vmem>> -> memref<800x64xf32, #tpu.memory_space<vmem>>
    %dma_wait3A_271 = arith.constant 0 : i32
    %dma_wait3A_272 = tpu.memref_slice %arg5[%dma_wait3A_265, %dma_wait3A_271] : memref<2x800xi32, #tpu.memory_space<vmem>> -> memref<1x800xi32, #tpu.memory_space<vmem>>
    %dma_wait3A_273 = tpu.memref_squeeze %dma_wait3A_272 : memref<1x800xi32, #tpu.memory_space<vmem>> -> memref<800xi32, #tpu.memory_space<vmem>>
    %dma_wait3A_274 = arith.constant 0 : i32
    %dma_wait3A_275 = arith.constant 0 : i32
    %dma_wait3A_276 = tpu.memref_slice %arg2[%dma_wait3A_274, %dma_wait3A_275] : memref<10000x64xf32, #tpu.memory_space<hbm>> -> memref<10000x64xf32, #tpu.memory_space<hbm>>
    tpu.wait_indirect_dma semaphore(%arg10 : memref<!tpu.dma_semaphore, #tpu.memory_space<semaphore_mem>>) src(%dma_wait3A_276 : memref<10000x64xf32, #tpu.memory_space<hbm>>) dst(%dma_wait3A_270 : memref<800x64xf32, #tpu.memory_space<vmem>>)
    %add3A_277 = arith.constant 24800 : i32
    %add3A_278 = arith.addi %mul3A_2, %add3A_277 : i32
    %multiple_of3A_279 = tpu.assume_multiple %add3A_278, 8 : i32
    %dma_start3A_280 = arith.constant 1 : i32
    %dma_start3A_281 = arith.constant 0 : i32
    %dma_start3A_282 = arith.constant 0 : i32
    %dma_start3A_283 = tpu.memref_slice %arg6[%dma_start3A_280, %dma_start3A_281, %dma_start3A_282] : memref<2x800x64xf32, #tpu.memory_space<vmem>> -> memref<1x800x64xf32, #tpu.memory_space<vmem>>
    %dma_start3A_284 = tpu.memref_squeeze %dma_start3A_283 : memref<1x800x64xf32, #tpu.memory_space<vmem>> -> memref<800x64xf32, #tpu.memory_space<vmem>>
    %dma_start3A_285 = arith.constant 0 : i32
    %dma_start3A_286 = tpu.memref_slice %arg4[%multiple_of3A_279, %dma_start3A_285] : memref<819200x64xf32, #tpu.memory_space<hbm>> -> memref<800x64xf32, #tpu.memory_space<hbm>>
    %dma_start3A_287 = arith.constant 0 : i32
    %dma_start3A_288 = tpu.memref_slice %arg4[%multiple_of3A_279, %dma_start3A_287] : memref<819200x64xf32, #tpu.memory_space<hbm>> -> memref<800x64xf32, #tpu.memory_space<hbm>>
    %dma_start3A_289 = arith.constant 0 : i32
    %dma_start3A_290 = arith.constant 0 : i32
    %dma_start3A_291 = tpu.memref_slice %arg6[%dma_start3A_280, %dma_start3A_289, %dma_start3A_290] : memref<2x800x64xf32, #tpu.memory_space<vmem>> -> memref<1x800x64xf32, #tpu.memory_space<vmem>>
    %dma_start3A_292 = tpu.memref_squeeze %dma_start3A_291 : memref<1x800x64xf32, #tpu.memory_space<vmem>> -> memref<800x64xf32, #tpu.memory_space<vmem>>
    tpu.enqueue_dma source(%dma_start3A_292 : memref<800x64xf32, #tpu.memory_space<vmem>>) target(%dma_start3A_288 : memref<800x64xf32, #tpu.memory_space<hbm>>) target_semaphore(%arg12 : memref<!tpu.dma_semaphore, #tpu.memory_space<semaphore_mem>>)
    %add3A_293 = arith.constant 24000 : i32
    %add3A_294 = arith.addi %mul3A_2, %add3A_293 : i32
    %multiple_of3A_295 = tpu.assume_multiple %add3A_294, 8 : i32
    %dma_wait3A_296 = arith.constant 0 : i32
    %dma_wait3A_297 = arith.constant 0 : i32
    %dma_wait3A_298 = arith.constant 0 : i32
    %dma_wait3A_299 = tpu.memref_slice %arg6[%dma_wait3A_296, %dma_wait3A_297, %dma_wait3A_298] : memref<2x800x64xf32, #tpu.memory_space<vmem>> -> memref<1x800x64xf32, #tpu.memory_space<vmem>>
    %dma_wait3A_300 = tpu.memref_squeeze %dma_wait3A_299 : memref<1x800x64xf32, #tpu.memory_space<vmem>> -> memref<800x64xf32, #tpu.memory_space<vmem>>
    %dma_wait3A_301 = arith.constant 0 : i32
    %dma_wait3A_302 = tpu.memref_slice %arg4[%multiple_of3A_295, %dma_wait3A_301] : memref<819200x64xf32, #tpu.memory_space<hbm>> -> memref<800x64xf32, #tpu.memory_space<hbm>>
    %dma_wait3A_303 = arith.constant 0 : i32
    %dma_wait3A_304 = tpu.memref_slice %arg4[%multiple_of3A_295, %dma_wait3A_303] : memref<819200x64xf32, #tpu.memory_space<hbm>> -> memref<800x64xf32, #tpu.memory_space<hbm>>
    %dma_wait3A_305 = arith.constant 0 : i32
    %dma_wait3A_306 = arith.constant 0 : i32
    %dma_wait3A_307 = tpu.memref_slice %arg6[%dma_wait3A_296, %dma_wait3A_305, %dma_wait3A_306] : memref<2x800x64xf32, #tpu.memory_space<vmem>> -> memref<1x800x64xf32, #tpu.memory_space<vmem>>
    %dma_wait3A_308 = tpu.memref_squeeze %dma_wait3A_307 : memref<1x800x64xf32, #tpu.memory_space<vmem>> -> memref<800x64xf32, #tpu.memory_space<vmem>>
    tpu.wait_dma2 semaphore(%arg11 : memref<!tpu.dma_semaphore, #tpu.memory_space<semaphore_mem>>) src(%dma_wait3A_308 : memref<800x64xf32, #tpu.memory_space<vmem>>) dst(%dma_wait3A_304 : memref<800x64xf32, #tpu.memory_space<hbm>>)
    %add3A_309 = arith.constant 24800 : i32
    %add3A_310 = arith.addi %mul3A_2, %add3A_309 : i32
    %multiple_of3A_311 = tpu.assume_multiple %add3A_310, 8 : i32
    %dma_wait3A_312 = arith.constant 1 : i32
    %dma_wait3A_313 = arith.constant 0 : i32
    %dma_wait3A_314 = arith.constant 0 : i32
    %dma_wait3A_315 = tpu.memref_slice %arg6[%dma_wait3A_312, %dma_wait3A_313, %dma_wait3A_314] : memref<2x800x64xf32, #tpu.memory_space<vmem>> -> memref<1x800x64xf32, #tpu.memory_space<vmem>>
    %dma_wait3A_316 = tpu.memref_squeeze %dma_wait3A_315 : memref<1x800x64xf32, #tpu.memory_space<vmem>> -> memref<800x64xf32, #tpu.memory_space<vmem>>
    %dma_wait3A_317 = arith.constant 0 : i32
    %dma_wait3A_318 = tpu.memref_slice %arg4[%multiple_of3A_311, %dma_wait3A_317] : memref<819200x64xf32, #tpu.memory_space<hbm>> -> memref<800x64xf32, #tpu.memory_space<hbm>>
    %dma_wait3A_319 = arith.constant 0 : i32
    %dma_wait3A_320 = tpu.memref_slice %arg4[%multiple_of3A_311, %dma_wait3A_319] : memref<819200x64xf32, #tpu.memory_space<hbm>> -> memref<800x64xf32, #tpu.memory_space<hbm>>
    %dma_wait3A_321 = arith.constant 0 : i32
    %dma_wait3A_322 = arith.constant 0 : i32
    %dma_wait3A_323 = tpu.memref_slice %arg6[%dma_wait3A_312, %dma_wait3A_321, %dma_wait3A_322] : memref<2x800x64xf32, #tpu.memory_space<vmem>> -> memref<1x800x64xf32, #tpu.memory_space<vmem>>
    %dma_wait3A_324 = tpu.memref_squeeze %dma_wait3A_323 : memref<1x800x64xf32, #tpu.memory_space<vmem>> -> memref<800x64xf32, #tpu.memory_space<vmem>>
    tpu.wait_dma2 semaphore(%arg12 : memref<!tpu.dma_semaphore, #tpu.memory_space<semaphore_mem>>) src(%dma_wait3A_324 : memref<800x64xf32, #tpu.memory_space<vmem>>) dst(%dma_wait3A_320 : memref<800x64xf32, #tpu.memory_space<hbm>>)
    return
  }
}

</mosaic_0001>

<sc_bundles>
// kernel: _expand.3.cloned.1.call-start
scs
__scs_entry_jumppad:
0x0: {  	(pc) =	sbr.rel $0x88, $3  }
0x1: {  	(tag) =	ssettag $0x0;
	lr =	simm.s32 $0x1  }
0x2: {  	[smem:$0x3F9F] =	sst lr;
	_ =	strace $0xD0000000  }
0x3: {  	_ = 	snop  }
0x4: {  	_ = 	snop  }
0x5: {  	_ = 	snop  }
0x6: {  	_ = 	snop  }
0x7: {  	_ = 	snop  }
__scs_overlays_trampoline_lowered:
0x8: {  	[smem:$0x3FAE] =	sst s0  }
0x9: {  	[smem:$0x3FAF] =	sst s1  }
0xa: {  	[smem:$0x3FB0] =	sst s2  }
0xb: {  	[smem:$0x3FB1] =	sst s3  }
0xc: {  	[smem:$0x3FB2] =	sst s4  }
0xd: {  	[smem:$0x3FB3] =	sst s5  }
0xe: {  	[smem:$0x3FB4] =	sst s6  }
0xf: {  	[smem:$0x3FB5] =	sst s7  }
0x10: {  	[smem:$0x3FB6] =	sst s8  }
0x11: {  	[smem:$0x3FB7] =	sst s9;
	s0 =	simm.s32 @!p0 $0x0  }
0x12: {  	s1 =	sld [smem:$0x3F9D];
	s0 =	simm.s32 @p0 $0x1  }
0x13: {  	[smem:$0x3FB8] =	sst s0;
	s0 =	simm.s32 @!p1 $0x0  }
0x14: {  	s2 =	sld [smem:$0x3F9C];
	s0 =	simm.s32 @p1 $0x1  }
0x15: {  	[smem:$0x3FB9] =	sst s0;
	s0 =	simm.s32 @!p2 $0x0  }
0x16: {  	s3 =	sld [smem:$0x3FDB];
	s0 =	simm.s32 @p2 $0x1  }
0x17: {  	s4 =	simm.s32 $0x1BF5;
	[smem:$0x3FBB] =	sst s0  }
0x18: {  	s0 =	sld [smem:$0x3F9E];
	_ =	swait.ge [sflag:s4], $0x0  }
0x19: {  	s7 =	sld [smem:$0x3F9F]  }
0x1a: {  	s8 =	sadd.s32 $0xFFFFE003, lr  }
0x1b: {  	s9 =	sadd.s32 $0xFFFFFEF7, lr;
	s5 =	simm.s32 $0xFFFFFFFF;
	p2 =	slt.u32 s8, $0xFFFFF086  }
0x1c: {  	p1 =	slt.u32 s9, $0xF7A;
	s5 =	simm.s32 @!p2 $0x0  }
0x1d: {  	s5 =	simm.s32 @p1 $0x1;
	p0 =	seq.s32 s7, s2  }
0x1e: {  	s7 =	smul.u32 @!p0 $0xF7A, s2;
	p2 =	seq.s32 @!p0 s5, $0x0  }
0x1f: {  	s9 =	smul.u32 $0xF7A, s1;
	s8 =	simm.s32 @!p0 $0x1BF5;
	p2 =	por !p2, p0  }
0x20: {  	[sflag:s8] =	ssyncset.s32 @!p0 $0xFFFFF086;
	s6 =	sadd.s32 @!p0 s3, s7;
	s7 =	simm.s32 @!p0 $0x108  }
0x21: {  	s3 =	sadd.s32 s3, s9;
	s6 =	sadd.s32 @!p0 $0x88, s6;
	s7 =	simm.s32 @p2 $0x1082  }
0x22: {  	[simem:s7], [sflag:s8] =	dma.local @!p0 [hbm:s6], $0xF7A  }
0x23: {  	s9 =	sor.u32 $0xD0000000, s2;
	s6 =	simm.s32 $0x108;
	_ =	swait.ge @!p0 [sflag:s8], $0x0  }
0x24: {  	s3 =	sadd.s32 $0x88, s3;
	s6 =	simm.s32 @!p1 $0x1082;
	[sflag:s4] =	ssyncset.s32 $0xFFFFF086  }
0x25: {  	[simem:s6], [sflag:s4] =	dma.local [hbm:s3], $0xF7A  }
0x26: {  	[smem:$0x3F9F] =	sst s1;
	(tag) =	ssettag s2;
	_ =	strace s9  }
0x27: {  	s1 =	sld [smem:$0x3FAF]  }
0x28: {  	s2 =	sld [smem:$0x3FB0]  }
0x29: {  	s4 =	sld [smem:$0x3FB2]  }
0x2a: {  	p0 =	seq.s32 s5, $0x0;
	s5 =	sld [smem:$0x3FB3]  }
0x2b: {  	s6 =	sld [smem:$0x3FB4]  }
0x2c: {  	s7 =	sld [smem:$0x3FB5]  }
0x2d: {  	s3 =	simm.s32 $0x108;
	s8 =	sld [smem:$0x3FB6]  }
0x2e: {  	s3 =	simm.s32 @!p0 $0x1082;
	s9 =	sld [smem:$0x3FB7]  }
0x2f: {  	lr =	sadd.s32 s0, s3;
	s0 =	sld [smem:$0x3FAE]  }
0x30: {  	s3 =	sld [smem:$0x3FB1]  }
0x31: {  	[smem:$0x3FBA] =	sst s10  }
0x32: {  	s10 =	sld [smem:$0x3FB8];
	_ =	sdelay $0x3  }
0x33: {  	p0 =	seq.s32 s10, $0x1;
	s10 =	sld [smem:$0x3FBA];
	_ =	sdelay $0x3  }
0x34: {  	[smem:$0x3FBA] =	sst s10  }
0x35: {  	s10 =	sld [smem:$0x3FB9];
	_ =	sdelay $0x3  }
0x36: {  	p1 =	seq.s32 s10, $0x1;
	s10 =	sld [smem:$0x3FBA];
	_ =	sdelay $0x3  }
0x37: {  	[smem:$0x3FBA] =	sst s10  }
0x38: {  	s10 =	sld [smem:$0x3FBB]  }
0x39: {  	_ = 	snop;
	(pc) =	sbr.ind lr, $3  }
0x3a: {  	_ = 	snop  }
0x3b: {  	_ = 	snop  }
0x3c: {  	p2 =	seq.s32 s10, $0x1;
	s10 =	sld [smem:$0x3FBA]  }
0x3d: {  	_ =	shalt  }
0x3e: {  	_ =	shalt  }
0x3f: {  	_ =	shalt  }
0x40: {  	_ =	shalt  }
0x41: {  	_ =	shalt  }
0x42: {  	_ =	shalt  }
0x43: {  	_ =	shalt  }
0x44: {  	_ =	shalt  }
0x45: {  	_ =	shalt  }
0x46: {  	_ =	shalt  }
0x47: {  	_ =	shalt  }
0x48: {  	_ =	shalt  }
0x49: {  	_ =	shalt  }
0x4a: {  	_ =	shalt  }
0x4b: {  	_ =	shalt  }
0x4c: {  	_ =	shalt  }
0x4d: {  	_ =	shalt  }
0x4e: {  	_ =	shalt  }
0x4f: {  	_ =	shalt  }
0x50: {  	_ =	shalt  }
0x51: {  	_ =	shalt  }
0x52: {  	_ =	shalt  }
0x53: {  	_ =	shalt  }
0x54: {  	_ =	shalt  }
0x55: {  	_ =	shalt  }
0x56: {  	_ =	shalt  }
0x57: {  	_ =	shalt  }
0x58: {  	_ =	shalt  }
0x59: {  	_ =	shalt  }
0x5a: {  	_ =	shalt  }
0x5b: {  	_ =	shalt  }
0x5c: {  	_ =	shalt  }
0x5d: {  	_ =	shalt  }
0x5e: {  	_ =	shalt  }
0x5f: {  	_ =	shalt  }
0x60: {  	_ =	shalt  }
0x61: {  	_ =	shalt  }
0x62: {  	_ =	shalt  }
0x63: {  	_ =	shalt  }
0x64: {  	_ =	shalt  }
0x65: {  	_ =	shalt  }
0x66: {  	_ =	shalt  }
0x67: {  	_ =	shalt  }
0x68: {  	_ =	shalt  }
0x69: {  	_ =	shalt  }
0x6a: {  	_ =	shalt  }
0x6b: {  	_ =	shalt  }
0x6c: {  	_ =	shalt  }
0x6d: {  	_ =	shalt  }
0x6e: {  	_ =	shalt  }
0x6f: {  	_ =	shalt  }
0x70: {  	_ =	shalt  }
0x71: {  	_ =	shalt  }
0x72: {  	_ =	shalt  }
0x73: {  	_ =	shalt  }
0x74: {  	_ =	shalt  }
0x75: {  	_ =	shalt  }
0x76: {  	_ =	shalt  }
0x77: {  	_ =	shalt  }
0x78: {  	_ =	shalt  }
0x79: {  	_ =	shalt  }
0x7a: {  	_ =	shalt  }
0x7b: {  	_ =	shalt  }
0x7c: {  	_ =	shalt  }
0x7d: {  	_ =	shalt  }
0x7e: {  	_ =	shalt  }
0x7f: {  	_ =	shalt  }
0x80: {  	_ =	shalt  }
0x81: {  	_ =	shalt  }
0x82: {  	_ =	shalt  }
0x83: {  	_ =	shalt  }
0x84: {  	_ =	shalt  }
0x85: {  	_ =	shalt  }
0x86: {  	_ =	shalt  }
0x87: {  	_ =	shalt  }
.Lfunc_end0:
.L_simem_size_0:
called_computation.1_lowered:
.L_overlay_start_0:
0x88: {  	s2 =	sld [smem:$0x3FD9]  }
0x89: {  	s3 =	sld [smem:$0x3FFE];
	_ =	sdelay $0x1  }
0x8a: {  	s1 =	srdreg.scid  }
0x8b: {  	s0 =	sand.u32 $0x1, s1  }
0x8c: {  	s17 =	sshll.u32 s0, $0xA;
	s2 =	sadd.s32 s3, s2  }
0x8d: {  	s2 =	sadd.s32 s2, s17  }
0x8e: {  	[smem:$0x3FC6] =	sst s2  }
0x8f: {  	_ = 	snop  }
0x90: {  	s2 =	sld [smem:$0x3FD0];
	(tm) =	ssettm $0x1  }
0x91: {  	s18 =	sld [smem:$0x3FFB];
	_ =	sdelay $0x3  }
0x92: {  	_ =	strace s18  }
0x93: {  	s3 =	sld [smem:$0x3FFC];
	_ =	sdelay $0x3  }
0x94: {  	_ =	strace s3  }
0x95: {  	s3 =	sld [smem:$0x3FFD];
	_ =	sdelay $0x3  }
0x96: {  	_ =	strace s3  }
0x97: {  	_ =	strace $0x8FFFFFFF  }
0x98: {  	s19 =	sld [smem:$0x3FDB];
	_ =	sdelay $0x1  }
0x99: {  	s4 =	simm.s32 $_scs_section_size  }
0x9a: {  	s5 =	simm.s32 $_size__tile_overlayer_lowered;
	s6 =	simm.s32 $_tile_overlayer_lowered  }
0x9b: {  	s22 =	simm.s32 $0x1BFF;
	s21 =	sshll.u32 s6, $0x1;
	s3 =	sadd.s32 s4, s19  }
0x9c: {  	s7 =	simm.s32 $0x0;
	s20 =	sshll.u32 s5, $0x1;
	s5 =	sadd.s32 s21, s3  }
0x9d: {  	[timem:s7], [sflag:s22] =	dma.local [hbm:s5], s20  }
0x9e: {  	_ =	swait.ge [sflag:s22], s20  }
0x9f: {  	s4 =	ssub.s32 $0x0, s20;
	[sflag:s22] =	ssyncset.done $0x0  }
0xa0: {  	[sflag:s22] =	ssyncadd.s32 s4;
	_ =	sdelay $0x1  }
0xa1: {  	s23 =	simm.s32 $0x1B8B  }
0xa2: {  	_ =	swait.ge [sflag:s23], $0x1  }
0xa3: {  	[sflag:s23] =	ssyncset.done $0x0  }
0xa4: {  	s25 =	simm.s32 $0x1B8E;
	s24 =	sld [smem:$0x3FFE];
	[sflag:s23] =	ssyncadd.s32 $0xFFFFFFFF  }
0xa5: {  	s26 =	simm.s32 $execute0_lowered;
	[smem:$0x3FD2] =	sst s25  }
0xa6: {  	s5 =	sshll.u32 s26, $0x1;
	_ =	strace $0x80000046;
	[dreg:$0x1] =	wrdreg $0xFFFFFFFF  }
0xa7: {  	s28 =	simm.s32 $_size_execute0_lowered;
	s3 =	sadd.s32 s3, s5;
	[dreg:$0x0] =	wrdreg $0x0  }
0xa8: {  	s5 =	sshll.u32 s28, $0x1;
	[dreg:$0x2] =	wrdreg s3  }
0xa9: {  	[dreg:$0x3] =	wrdreg s5  }
0xaa: {  	[dreg:$0x4] =	wrdreg $0xC0  }
0xab: {  	_ =	task [dreg:s7], $0x5FFFF  }
0xac: {  	[dreg:$0x1] =	wrdreg $0xFFFFFFFF  }
0xad: {  	[dreg:$0x0] =	wrdreg $0x60  }
0xae: {  	[dreg:$0x2] =	wrdreg s24  }
0xaf: {  	[dreg:$0x3] =	wrdreg s2  }
0xb0: {  	[dreg:$0x4] =	wrdreg $0x9  }
0xb1: {  	_ =	task.clear_ibuf [dreg:s7], $0x5FFFF;
	_ =	strace $0x90000046  }
0xb2: {  	s29 =	simm.s32 $0x9;
	_ =	strace $0x80000048  }
0xb3: {  	_ =	swait.ge [sflag:s29], $0x1  }
0xb4: {  	[sflag:s29] =	ssyncadd.s32 $0xFFFFFFFF  }
0xb5: {  	_ =	strace $0x90000048  }
0xb6: {  	_ =	sfence  }
0xb7: {  	s30 =	sld [smem:$0x0];
	_ =	sdelay $0x2  }
0xb8: {  	s31 =	sshll.u32 s1, $0xD;
	s1 =	sshrl.u32 s1, $0x2  }
0xb9: {  	s3 =	sand.u32 $0x4000, s31;
	s1 =	sadd.s32 s1, s30  }
0xba: {  	s0 =	sor.u32 s3, s0;
	s1 =	sshll.u32 s1, $0x11  }
0xbb: {  	s0 =	sor.u32 s1, s0  }
0xbc: {  	s0 =	sadd.s32 $0x8F2B, s0  }
0xbd: {  	[sflag:s0] =	ssyncadd.remote.s32 $0x1  }
0xbe: {  	_ =	sfence.sel $0xFFFF  }
0xbf: {  	[dreg:$0x0] =	wrdreg $0xFFFFFFFF;
	(pc) =	sbr.abs _section_cstart, $3  }
0xc0: {  	[dreg:$0x1] =	wrdreg $0xFFFFFFFF  }
0xc1: {  	_ =	task.clear_ibuf [dreg:s7], $0x2FFFF;
	_ =	strace $0x9FFFFFFF  }
0xc2: {  	(tm) =	ssettm $0x7FFFFFFF  }
0xc3: {  	_ =	shalt  }
tec
execute0_lowered:
.L_overlay_start_1:
0x0: {  	(tag) =	ssettag $0x1  }
0x1: {  	s4 =	rddreg [dreg:$0x0];
	s1 =	srdreg.scid  }
0x2: {  	s0 =	stileid.u32;
	s13 =	rddreg [dreg:$0x1];
	s2 =	simm.s32 $0x0  }
0x3: {  	s19 =	simm.s32 $0x640;
	s20 =	simm.s32 $0x3;
	s21 =	simm.s32 $0x2  }
0x4: {  	s22 =	simm.s32 $0xCE40;
	s23 =	simm.s32 $0x4;
	s24 =	simm.s32 $0x5  }
0x5: {  	s8 =	sand.u32 $0x1, s1;
	s3 =	sshll.u32 s0, $0x1;
	s14 =	smul.u32 $0xC800, s0  }
0x6: {  	s25 =	simm.s32 $0x6;
	s6 =	sor.u32 s8, s3;
	s16 =	smul.u32 $0x6400, s8  }
0x7: {  	[smem:$0x7FF] =	sst s2;
	s15 =	sadd.s32 $0xA00, s4;
	s7 =	smul.u32 $0x6400, s6  }
0x8: {  	s5 =	ssub.s32 $0x2, s8;
	_ =	strace $0x80000047;
	s30 =	smul.u32 $0x32000, s6  }
0x9: {  	s3 =	sadd.s32 $0x19A00, s4;
	s9 =	sshrl.u32 s5, $0x1;
	s10 =	smul.u32 $0x190000, s6  }
0xa: {  	s12 =	ssub.s32 s5, s9;
	s14 =	sadd.s32 s16, s14;
	s26 =	sor.u32 $0x320, s7  }
0xb: {  	s28 =	sshrl.u32 s7, $0x3;
	s6 =	sadd.s32 s13, s30;
	s10 =	sshrl.u32 s10, $0x3  }
0xc: {  	s12 =	smax.u32 s12, $0x1;
	s16 =	sadd.s32 $0xFA0, s14;
	s17 =	sshll.u32 s14, $0x3  }
0xd: {  	s18 =	sadd.s32 $0xC80, s14;
	s29 =	sshrl.u32 s26, $0x3;
	s4 =	sadd.s32 s15, s28  }
0xe: {  	s9 =	sshll.u32 s26, $0x3;
	s11 =	sadd.s32 s13, s10;
	s16 =	sshrl.u32 s16, $0x3  }
0xf: {  	s17 =	sadd.s32 s13, s17;
	s31 =	sshrl.u32 s18, $0x3;
	s18 =	simm.s32 $0x1  }
0x10: {  	s26 =	simm.s32 $0x0;
	s5 =	sadd.s32 s15, s29;
	s7 =	sadd.s32 $0xC8, s4  }
0x11: {  	s8 =	sadd.s32 s13, s9;
	s9 =	sadd.s32 $0x12C, s4;
	s10 =	sadd.s32 $0x2EE00, s11  }
0x12: {  	s11 =	sadd.s32 $0x30700, s11;
	s13 =	sadd.s32 s16, s15;
	s14 =	sadd.s32 $0x4B00, s17  }
0x13: {  	s15 =	sadd.s32 s31, s15;
	s16 =	sadd.s32 $0x3200, s17;
	s17 =	simm.s32 $0x320  }
.LBB2_1:
0x14: {  	[tilespmem:s2], [sflag:$0x1] =	stream.linear.gather [hbm4b:s4+s2], $0x320, $0x38;
	[tilespmem:$0x19640] =	vst v63  }
0x15: {  	_ = 	snop  }
0x16: {  	[tilespmem:s17], [sflag:$0x2] =	stream.linear.gather [hbm4b:s5+s2], $0x320, $0x38;
	[tilespmem:$0x19640] =	vst v63  }
0x17: {  	_ =	swait.ge [sflag:s18], $0x320  }
0x18: {  	[sflag:s18] =	ssyncset.done $0x0  }
0x19: {  	[sflag:s18] =	ssyncadd.s32 $0xFFFFFCE0  }
0x1a: {  	[tilespmem:s19], [sflag:$0x3] =	stream.indirect.gather [hbm4b:s3+s17], $0x40, s2, s17, $0xb8;
	[tilespmem:$0x19640] =	vst v63  }
0x1b: {  	_ =	swait.ge [sflag:s20], $0xC800  }
0x1c: {  	[sflag:s20] =	ssyncset.done $0x0  }
0x1d: {  	[sflag:s20] =	ssyncadd.s32 $0xFFFF3800  }
0x1e: {  	[hbm4b:s6+s2] =	stream.linear.scatter [tilespmem:s19], [sflag:$0x5], $0xC800, $0x38;
	[tilespmem:$0x19640] =	vst v63  }
0x1f: {  	_ = 	snop  }
0x20: {  	[tilespmem:s2], [sflag:$0x1] =	stream.linear.gather [hbm4b:s7+s2], $0x320, $0x38;
	[tilespmem:$0x19640] =	vst v63  }
0x21: {  	_ =	swait.ge [sflag:s21], $0x320  }
0x22: {  	[sflag:s21] =	ssyncset.done $0x0  }
0x23: {  	[sflag:s21] =	ssyncadd.s32 $0xFFFFFCE0  }
0x24: {  	[tilespmem:s22], [sflag:$0x4] =	stream.indirect.gather [hbm4b:s3+s17], $0x40, s17, s17, $0xb8;
	[tilespmem:$0x19640] =	vst v63  }
0x25: {  	_ =	swait.ge [sflag:s23], $0xC800  }
0x26: {  	[sflag:s23] =	ssyncset.done $0x0  }
0x27: {  	[sflag:s23] =	ssyncadd.s32 $0xFFFF3800  }
0x28: {  	[hbm4b:s8+s2] =	stream.linear.scatter [tilespmem:s22], [sflag:$0x6], $0xC800, $0x38;
	[tilespmem:$0x19640] =	vst v63  }
0x29: {  	_ = 	snop  }
0x2a: {  	[tilespmem:s17], [sflag:$0x2] =	stream.linear.gather [hbm4b:s9+s2], $0x320, $0x38;
	[tilespmem:$0x19640] =	vst v63  }
0x2b: {  	_ =	swait.ge [sflag:s18], $0x320  }
0x2c: {  	[sflag:s18] =	ssyncset.done $0x0  }
0x2d: {  	[sflag:s18] =	ssyncadd.s32 $0xFFFFFCE0  }
0x2e: {  	_ =	swait.ge [sflag:s24], $0xC800  }
0x2f: {  	[sflag:s24] =	ssyncset.done $0x0  }
0x30: {  	[sflag:s24] =	ssyncadd.s32 $0xFFFF3800  }
0x31: {  	[tilespmem:s19], [sflag:$0x3] =	stream.indirect.gather [hbm4b:s3+s17], $0x40, s2, s17, $0xb8;
	[tilespmem:$0x19640] =	vst v63  }
0x32: {  	_ =	swait.ge [sflag:s20], $0xC800  }
0x33: {  	[sflag:s20] =	ssyncset.done $0x0  }
0x34: {  	[sflag:s20] =	ssyncadd.s32 $0xFFFF3800  }
0x35: {  	[hbm4b:s16+s2] =	stream.linear.scatter [tilespmem:s19], [sflag:$0x5], $0xC800, $0x38;
	[tilespmem:$0x19640] =	vst v63  }
0x36: {  	s28 =	sadd.s32 $0x0, s15  }
0x37: {  	[tilespmem:s2], [sflag:$0x1] =	stream.linear.gather [hbm4b:s28+s2], $0x320, $0x38;
	[tilespmem:$0x19640] =	vst v63  }
0x38: {  	_ =	swait.ge [sflag:s21], $0x320  }
0x39: {  	[sflag:s21] =	ssyncset.done $0x0  }
0x3a: {  	[sflag:s21] =	ssyncadd.s32 $0xFFFFFCE0  }
0x3b: {  	_ =	swait.ge [sflag:s25], $0xC800  }
0x3c: {  	[sflag:s25] =	ssyncset.done $0x0  }
0x3d: {  	[sflag:s25] =	ssyncadd.s32 $0xFFFF3800  }
0x3e: {  	[tilespmem:s22], [sflag:$0x4] =	stream.indirect.gather [hbm4b:s3+s17], $0x40, s17, s17, $0xb8;
	[tilespmem:$0x19640] =	vst v63  }
0x3f: {  	_ =	swait.ge [sflag:s23], $0xC800  }
0x40: {  	s31 =	sadd.s32 $0x0, s13;
	s29 =	sadd.s32 $0x3200, s14;
	[sflag:s23] =	ssyncset.done $0x0  }
0x41: {  	s30 =	sadd.s32 $0x3200, s16;
	s28 =	simm.s32 $0xC8;
	[sflag:s23] =	ssyncadd.s32 $0xFFFF3800  }
0x42: {  	[hbm4b:s14+s2] =	stream.linear.scatter [tilespmem:s22], [sflag:$0x6], $0xC800, $0x38;
	[tilespmem:$0x19640] =	vst v63  }
.LBB2_2:
0x43: {  	[tilespmem:s17], [sflag:$0x2] =	stream.linear.gather [hbm4b:s31+s2], $0x320, $0x38;
	[tilespmem:$0x19640] =	vst v63  }
0x44: {  	s31 =	smov.u32 s28  }
0x45: {  	p0 =	sne.s32 s28, $0xA28;
	s28 =	sadd.s32 $0xC8, s28;
	_ =	swait.ge [sflag:s18], $0x320  }
0x46: {  	[sflag:s18] =	ssyncset.done $0x0  }
0x47: {  	[sflag:s18] =	ssyncadd.s32 $0xFFFFFCE0  }
0x48: {  	_ =	swait.ge [sflag:s24], $0xC800  }
0x49: {  	[sflag:s24] =	ssyncset.done $0x0  }
0x4a: {  	[sflag:s24] =	ssyncadd.s32 $0xFFFF3800  }
0x4b: {  	[tilespmem:s19], [sflag:$0x3] =	stream.indirect.gather [hbm4b:s3+s17], $0x40, s2, s17, $0xb8;
	[tilespmem:$0x19640] =	vst v63  }
0x4c: {  	_ =	swait.ge [sflag:s20], $0xC800  }
0x4d: {  	[sflag:s20] =	ssyncset.done $0x0  }
0x4e: {  	[sflag:s20] =	ssyncadd.s32 $0xFFFF3800  }
0x4f: {  	[hbm4b:s30+s2] =	stream.linear.scatter [tilespmem:s19], [sflag:$0x5], $0xC800, $0x38;
	[tilespmem:$0x19640] =	vst v63  }
0x50: {  	s1 =	sadd.s32 s31, s15  }
0x51: {  	[tilespmem:s2], [sflag:$0x1] =	stream.linear.gather [hbm4b:s1+s2], $0x320, $0x38;
	[tilespmem:$0x19640] =	vst v63  }
0x52: {  	_ =	swait.ge [sflag:s21], $0x320  }
0x53: {  	[sflag:s21] =	ssyncset.done $0x0  }
0x54: {  	[sflag:s21] =	ssyncadd.s32 $0xFFFFFCE0  }
0x55: {  	_ =	swait.ge [sflag:s25], $0xC800  }
0x56: {  	[sflag:s25] =	ssyncset.done $0x0  }
0x57: {  	[sflag:s25] =	ssyncadd.s32 $0xFFFF3800  }
0x58: {  	[tilespmem:s22], [sflag:$0x4] =	stream.indirect.gather [hbm4b:s3+s17], $0x40, s17, s17, $0xb8;
	[tilespmem:$0x19640] =	vst v63  }
.Ltmp0:
0x59: {  	_ =	swait.ge [sflag:s23], $0xC800;
	(pc) =	sbr.rel @p0 .LBB2_2-.Ltmp0, $4  }
0x5a: {  	[sflag:s23] =	ssyncset.done $0x0  }
0x5b: {  	[sflag:s23] =	ssyncadd.s32 $0xFFFF3800  }
0x5c: {  	[hbm4b:s29+s2] =	stream.linear.scatter [tilespmem:s22], [sflag:$0x6], $0xC800, $0x38;
	[tilespmem:$0x19640] =	vst v63  }
0x5d: {  	s31 =	sadd.s32 s31, s13;
	s30 =	sadd.s32 $0x3200, s30;
	s29 =	sadd.s32 $0x3200, s29  }
0x5e: {  	[tilespmem:s17], [sflag:$0x2] =	stream.linear.gather [hbm4b:s31+s2], $0x320, $0x38;
	[tilespmem:$0x19640] =	vst v63  }
0x5f: {  	_ =	swait.ge [sflag:s18], $0x320  }
0x60: {  	[sflag:s18] =	ssyncset.done $0x0  }
0x61: {  	[sflag:s18] =	ssyncadd.s32 $0xFFFFFCE0  }
0x62: {  	_ =	swait.ge [sflag:s24], $0xC800  }
0x63: {  	[sflag:s24] =	ssyncset.done $0x0  }
0x64: {  	[sflag:s24] =	ssyncadd.s32 $0xFFFF3800  }
0x65: {  	[tilespmem:s19], [sflag:$0x3] =	stream.indirect.gather [hbm4b:s3+s17], $0x40, s2, s17, $0xb8;
	[tilespmem:$0x19640] =	vst v63  }
0x66: {  	_ =	swait.ge [sflag:s20], $0xC800  }
0x67: {  	[sflag:s20] =	ssyncset.done $0x0  }
0x68: {  	[sflag:s20] =	ssyncadd.s32 $0xFFFF3800  }
0x69: {  	[hbm4b:s10+s2] =	stream.linear.scatter [tilespmem:s19], [sflag:$0x5], $0xC800, $0x38;
	[tilespmem:$0x19640] =	vst v63  }
0x6a: {  	_ =	swait.ge [sflag:s21], $0x320  }
0x6b: {  	[sflag:s21] =	ssyncset.done $0x0  }
0x6c: {  	[sflag:s21] =	ssyncadd.s32 $0xFFFFFCE0  }
0x6d: {  	_ =	swait.ge [sflag:s25], $0xC800  }
0x6e: {  	[sflag:s25] =	ssyncset.done $0x0  }
0x6f: {  	[sflag:s25] =	ssyncadd.s32 $0xFFFF3800  }
0x70: {  	[tilespmem:s22], [sflag:$0x4] =	stream.indirect.gather [hbm4b:s3+s17], $0x40, s17, s17, $0xb8;
	[tilespmem:$0x19640] =	vst v63  }
0x71: {  	_ =	swait.ge [sflag:s23], $0xC800  }
0x72: {  	[sflag:s23] =	ssyncset.done $0x0  }
0x73: {  	s26 =	sadd.s32 $0x1, s26;
	[sflag:s23] =	ssyncadd.s32 $0xFFFF3800  }
0x74: {  	[hbm4b:s11+s2] =	stream.linear.scatter [tilespmem:s22], [sflag:$0x6], $0xC800, $0x38;
	[tilespmem:$0x19640] =	vst v63  }
0x75: {  	p0 =	sne.s32 s26, s12;
	_ =	swait.ge [sflag:s24], $0xC800  }
.Ltmp1:
0x76: {  	[sflag:s24] =	ssyncset.done $0x0;
	(pc) =	sbr.rel @p0 .LBB2_1-.Ltmp1, $4  }
0x77: {  	[sflag:s24] =	ssyncadd.s32 $0xFFFF3800  }
0x78: {  	_ =	swait.ge [sflag:s25], $0xC800  }
0x79: {  	[sflag:s25] =	ssyncset.done $0x0  }
0x7a: {  	[sflag:s25] =	ssyncadd.s32 $0xFFFF3800  }
0x7b: {  	_ =	sfence.sel $0x180000  }
0x7c: {  	[bflag:$0x0] =	sbarrier.arrive $0xFFFF  }
0x7d: {  	_ =	strace $0x90000047  }
0x7e: {  	[bflag:$0x2] =	sbarrier.arrive $0xFFFF  }
0x7f: {  	p0 =	sne.s32 s0, $0x0;
	s0 =	rddreg [dreg:$0x2]  }
0x80: {  	s0 =	sadd.s32 @!p0 $0x100000, s0  }
0x81: {  	[sflag:s0] =	ssyncadd.tile.s32 @!p0 $0x1;
	_ =	shalt  }
.Lfunc_end2:
_tile_overlayer_lowered:
.L_overlay_start_2:
0x82: {  	(tag) =	ssettag $0x2  }
0x83: {  	s0 =	rddreg [dreg:$0x0];
	s2 =	stileid.u32  }
0x84: {  	s1 =	rddreg [dreg:$0x1];
	p0 =	sne.s32 s2, $0x0  }
0x85: {  	s3 =	rddreg [dreg:$0x2];
	[bflag:$0x3] =	sbarrier.arrive $0xFFFF;
	s2 =	simm.s32 @!p0 $0x1C07  }
0x86: {  	[timem:s3], [sflag:s2] =	dma.local @!p0 [hbm:s0], s1  }
0x87: {  	s0 =	simm.s32 @!p0 $0x7  }
0x88: {  	_ =	swait.ge @!p0 [sflag:s0], s1  }
0x89: {  	s1 =	ssub.s32 @!p0 $0x0, s1;
	[sflag:s0] =	ssyncset.done @!p0 $0x0  }
0x8a: {  	[sflag:s0] =	ssyncadd.s32 @!p0 s1  }
0x8b: {  	[bflag:$0x3] =	sbarrier.arrive $0xFFFF  }
0x8c: {  	_ =	shalt  }

// kernel: sparse-core-data-format-call.cloned.1.call-start
scs
called_computation_lowered:
.L_overlay_start_0:
0x0: {  	s2 =	sld [smem:$0x3FD9]  }
0x1: {  	s3 =	sld [smem:$0x3FFE];
	_ =	sdelay $0x1  }
0x2: {  	s1 =	srdreg.scid  }
0x3: {  	s0 =	sand.u32 $0x1, s1  }
0x4: {  	s18 =	sshll.u32 s0, $0xA;
	s2 =	sadd.s32 s3, s2  }
0x5: {  	s2 =	sadd.s32 s2, s18  }
0x6: {  	[smem:$0x3FC6] =	sst s2  }
0x7: {  	_ = 	snop  }
0x8: {  	s2 =	sld [smem:$0x3FD0];
	(tm) =	ssettm $0x1  }
0x9: {  	s19 =	sld [smem:$0x3FFB];
	_ =	sdelay $0x3  }
0xa: {  	_ =	strace s19  }
0xb: {  	s3 =	sld [smem:$0x3FFC];
	_ =	sdelay $0x3  }
0xc: {  	_ =	strace s3  }
0xd: {  	s3 =	sld [smem:$0x3FFD];
	_ =	sdelay $0x3  }
0xe: {  	_ =	strace s3  }
0xf: {  	_ =	strace $0x8FFFFFFF  }
0x10: {  	s20 =	sld [smem:$0x3FDB];
	_ =	sdelay $0x1  }
0x11: {  	s4 =	simm.s32 $_scs_section_size  }
0x12: {  	s5 =	simm.s32 $_size__tile_overlayer_lowered;
	s6 =	simm.s32 $_tile_overlayer_lowered  }
0x13: {  	s23 =	simm.s32 $0x1BFF;
	s22 =	sshll.u32 s6, $0x1;
	s3 =	sadd.s32 s4, s20  }
0x14: {  	s7 =	simm.s32 $0x0;
	s21 =	sshll.u32 s5, $0x1;
	s5 =	sadd.s32 s22, s3  }
0x15: {  	[timem:s7], [sflag:s23] =	dma.local [hbm:s5], s21  }
0x16: {  	_ =	swait.ge [sflag:s23], s21  }
0x17: {  	s4 =	ssub.s32 $0x0, s21;
	[sflag:s23] =	ssyncset.done $0x0  }
0x18: {  	[sflag:s23] =	ssyncadd.s32 s4;
	_ =	sdelay $0x1  }
0x19: {  	s24 =	simm.s32 $0x1B8B  }
0x1a: {  	_ =	swait.ge [sflag:s24], $0x1  }
0x1b: {  	[sflag:s24] =	ssyncset.done $0x0  }
0x1c: {  	s26 =	simm.s32 $0x1B8E;
	s25 =	sld [smem:$0x3FFE];
	[sflag:s24] =	ssyncadd.s32 $0xFFFFFFFF  }
0x1d: {  	s27 =	simm.s32 $execute0_lowered;
	[smem:$0x3FD2] =	sst s26  }
0x1e: {  	s5 =	sshll.u32 s27, $0x1;
	_ =	strace $0x80000049;
	[dreg:$0x1] =	wrdreg $0xFFFFFFFF  }
0x1f: {  	s28 =	simm.s32 $_size_execute0_lowered;
	s3 =	sadd.s32 s3, s5;
	[dreg:$0x0] =	wrdreg $0x0  }
0x20: {  	s5 =	sshll.u32 s28, $0x1;
	[dreg:$0x2] =	wrdreg s3  }
0x21: {  	[dreg:$0x3] =	wrdreg s5  }
0x22: {  	[dreg:$0x4] =	wrdreg $0xC0  }
0x23: {  	_ =	task [dreg:s7], $0x5FFFF  }
0x24: {  	[dreg:$0x1] =	wrdreg $0xFFFFFFFF  }
0x25: {  	[dreg:$0x0] =	wrdreg $0x60  }
0x26: {  	[dreg:$0x2] =	wrdreg s25  }
0x27: {  	[dreg:$0x3] =	wrdreg s2  }
0x28: {  	[dreg:$0x4] =	wrdreg $0x9  }
0x29: {  	_ =	task.clear_ibuf [dreg:s7], $0x5FFFF;
	_ =	strace $0x90000049  }
0x2a: {  	s29 =	simm.s32 $0x9;
	_ =	strace $0x8000004B  }
0x2b: {  	_ =	swait.ge [sflag:s29], $0x1  }
0x2c: {  	[sflag:s29] =	ssyncadd.s32 $0xFFFFFFFF  }
0x2d: {  	_ =	strace $0x9000004B  }
0x2e: {  	_ =	sfence  }
0x2f: {  	s30 =	sld [smem:$0x0];
	_ =	sdelay $0x2  }
0x30: {  	s31 =	sshll.u32 s1, $0xD;
	s1 =	sshrl.u32 s1, $0x2  }
0x31: {  	s3 =	sand.u32 $0x4000, s31;
	s1 =	sadd.s32 s1, s30  }
0x32: {  	s0 =	sor.u32 s3, s0;
	s1 =	sshll.u32 s1, $0x11  }
0x33: {  	s0 =	sor.u32 s1, s0  }
0x34: {  	s0 =	sadd.s32 $0x8F2B, s0  }
0x35: {  	[sflag:s0] =	ssyncadd.remote.s32 $0x1  }
0x36: {  	_ =	sfence.sel $0xFFFF  }
0x37: {  	[dreg:$0x0] =	wrdreg $0xFFFFFFFF;
	(pc) =	sbr.abs _section_cstart, $3  }
0x38: {  	[dreg:$0x1] =	wrdreg $0xFFFFFFFF  }
0x39: {  	_ =	task.clear_ibuf [dreg:s7], $0x2FFFF;
	_ =	strace $0x9FFFFFFF  }
0x3a: {  	(tm) =	ssettm $0x7FFFFFFF  }
0x3b: {  	_ =	shalt  }
tec
execute0_lowered:
.L_overlay_start_1:
0x0: {  	(tag) =	ssettag $0x1  }
0x1: {  	s0 =	srdreg.scid  }
0x2: {  	s1 =	sshll.u32 s0, $0x4  }
0x3: {  	s5 =	rddreg [dreg:$0x0];
	s0 =	stileid.u32;
	s1 =	sand.u32 $0x10, s1  }
0x4: {  	s3 =	rddreg [dreg:$0x1];
	s31 =	simm.s32 $0x2;
	s4 =	sor.u32 s0, s1  }
0x5: {  	s13 =	simm.s32 $0x0;
	s9 =	simm.s32 $0x400;
	s2 =	sshll.u32 s4, $0x7  }
0x6: {  	s10 =	simm.s32 $0x8000;
	s14 =	simm.s32 $0x0;
	s6 =	ssub.s32 $0x1000, s2  }
0x7: {  	s1 =	rddreg [dreg:$0x2];
	_ =	strace $0x8000004A;
	s7 =	sand.u32 $0xF80, s6  }
0x8: {  	s4 =	sshll.u32 s4, $0xB;
	p0 =	sne.s32 s7, $0x0;
	s7 =	simm.s32 $0x1  }
.Ltmp0:
0x9: {  	s6 =	sshrl.u32 s6, $0xC;
	s7 =	simm.s32 @!p0 $0x0;
	(pc) =	sbr.rel .LBB1_1-.Ltmp0, $4  }
0xa: {  	s8 =	sadd.s32 s4, s5;
	s4 =	simm.s32 $0x1;
	s30 =	sadd.s32 s7, s6  }
0xb: {  	s11 =	simm.s32 $0x0;
	[sflag:s4] =	ssyncpa.u1 $0x0;
	s5 =	smul.u32 $0x64, s30  }
0xc: {  	s12 =	simm.s32 $0x0;
	[sflag:s31] =	ssyncpa.u1 $0x0;
	p0 =	por $0x0, $0x0  }
0xd: {  	s6 =	sadd.s32 $0xA00, s8;
	s7 =	sadd.s32 $0x10A00, s8;
	s8 =	sor.u32 $0x1, s5  }
.LBB1_7:
0xe: {  	s15 =	sadd.s32 $0x2, s11  }
0xf: {  	p2 =	sgt.s32 s15, $0xC7  }
0x10: {  	s15 =	simm.s32 @p2 $0x0;
	p2 =	sne.s32 s12, s8  }
.Ltmp1:
0x11: {  	p1 =	slt.u32 s12, $0x2;
	(pc) =	sbr.rel @!p2 .LBB1_8-.Ltmp1, $4  }
0x12: {  	s13 =	simm.s32 @!p1 $0x2  }
0x13: {  	s16 =	sadd.s32 $0x1, s12;
	s14 =	smov.u32 s11;
	_ =	swait.ge @!p1 [sflag:s13], $0x4000  }
0x14: {  	p0 =	por !p0, !p0;
	s12 =	smov.u32 s16;
	[sflag:s13] =	ssyncset.done @!p1 $0x0  }
0x15: {  	s11 =	smov.u32 s15;
	[sflag:s13] =	ssyncadd.s32 @!p1 $0xFFFFC000;
	s13 =	smov.u32 s2  }
.LBB1_1:
0x16: {  	p1 =	sge.u32 s12, s5  }
0x17: {  	s15 =	sxor.u32 @!p1 $0xFFFFFFFF, s12  }
0x18: {  	s16 =	sshll.u32 @!p1 s11, $0x10;
	s18 =	simm.s32 @!p1 $0x40;
	s15 =	sshll.u32 @!p1 s15, $0xE  }
0x19: {  	s19 =	simm.s32 @!p1 $0x80;
	s17 =	sadd.s32 @!p1 s16, s6;
	s15 =	sand.u32 @!p1 $0x4000, s15  }
0x1a: {  	[tilespmem:s15], [sflag:$0x1] =	stream.strided.gather @!p1 [hbm4b:s17+s18], $0x2000, s19, s18, $0x38;
	[tilespmem:$0x10100] =	vst v63  }
0x1b: {  	s31 =	sadd.s32 $0xFFFFFFFF, s12;
	s16 =	sadd.s32 @!p1 s16, s7;
	s15 =	sor.u32 @!p1 $0x2000, s15  }
0x1c: {  	[tilespmem:s15], [sflag:$0x1] =	stream.strided.gather @!p1 [hbm4b:s16+s18], $0x2000, s19, s18, $0x38;
	[tilespmem:$0x10100] =	vst v63  }
0x1d: {  	p1 =	sge.u32 s31, s5  }
.Ltmp2:
0x1e: {  	_ = 	snop;
	(pc) =	sbr.rel @p1 .LBB1_7-.Ltmp2, $1  }
0x1f: {  	_ =	sdelay $0x3  }
0x20: {  	s15 =	simm.s32 $0x1;
	s17 =	sand.u32 $0x1, s12  }
0x21: {  	_ =	swait.ge [sflag:s4], $0x4000;
	s15 =	simm.s32 @!p0 $0x0;
	s17 =	smul.u32 $0x10200, s17  }
0x22: {  	p2 =	por $0x1, $0x1;
	[sflag:s4] =	ssyncset.done $0x0;
	s16 =	smul.u32 $0x10200, s15  }
0x23: {  	s18 =	sshll.u32 s15, $0x10;
	[sflag:s4] =	ssyncadd.s32 $0xFFFFC000;
	s30 =	sshrl.u32 s17, $0x2  }
0x24: {  	s31 =	sshrl.u32 s18, $0x2;
	s18 =	simm.s32 $0x0;
	s16 =	sshrl.u32 s16, $0x2  }
0x25: {  	s15 =	sor.u32 $0x8000, s30;
	s17 =	sadd.s32 $0x20, s31;
	s16 =	sor.u32 $0x8000, s16  }
.LBB1_3:
0x26: {  	s19 =	sshll.u32 s18, $0xD  }
0x27: {  	s19 =	sand.u32 $0x3FFFE000, s19  }
0x28: {  	s21 =	sadd.s32 s19, s17  }
0x29: {  	s31 =	smul.u32 $0x8100, s18;
	v3 =	vld [tilespmem:s21+$0x10]  }
0x2a: {  	v1 =	vld [tilespmem:s21+$0xFFFFFFF0]  }
0x2b: {  	s18 =	sshra.s32 s31, $0x2;
	v0 =	vld [tilespmem:s21+$0x0]  }
0x2c: {  	s18 =	sadd.s32 s18, s16;
	v2 =	vld [tilespmem:s21+$0xFFFFFFE0]  }
0x2d: {  	s19 =	sadd.s32 $0x0, s18  }
0x2e: {  	p1 =	por p2, p2;
	s20 =	simm.s32 $0x4;
	s21 =	sadd.s32 $0x40, s21;
	[tilespmem:s19+$0x1830 ss:$0x81] =	vst.msk $0xffff, v3  }
.LBB1_4:
0x2f: {  	v3 =	vld [tilespmem:s21+$0x10];
	p2 =	sne.s32 s20, $0x1FC;
	[tilespmem:s19+$0x810 ss:$0x81] =	vst.msk $0xffff, v1;
	s22 =	smov.u32 s20;
	s20 =	sadd.s32 $0x4, s20  }
.Ltmp3:
0x30: {  	v1 =	vld [tilespmem:s21+$0xFFFFFFF0];
	[tilespmem:s19+$0x1020 ss:$0x81] =	vst.msk $0xffff, v0;
	(pc) =	sbr.rel @p2 .LBB1_4-.Ltmp3, $4  }
0x31: {  	v0 =	vld [tilespmem:s21+$0x0];
	[tilespmem:s19+$0x0 ss:$0x81] =	vst.msk $0xffff, v2  }
0x32: {  	s19 =	sshra.s32 s22, $0x2;
	v2 =	vld [tilespmem:s21+$0xFFFFFFE0]  }
0x33: {  	s19 =	sadd.s32 s19, s18  }
0x34: {  	s21 =	sadd.s32 $0x40, s21;
	[tilespmem:s19+$0x1830 ss:$0x81] =	vst.msk $0xffff, v3  }
.Ltmp4:
0x35: {  	(pc) =	sbr.rel @p1 .LBB1_3-.Ltmp4, $4  }
0x36: {  	_ = 	snop  }
0x37: {  	[tilespmem:s19+$0x810 ss:$0x81] =	vst.msk $0xffff, v1  }
0x38: {  	[tilespmem:s19+$0x1020 ss:$0x81] =	vst.msk $0xffff, v0  }
0x39: {  	s18 =	simm.s32 $0x1;
	p2 =	por $0x0, $0x0;
	[tilespmem:s19+$0x0 ss:$0x81] =	vst.msk $0xffff, v2  }
.Ltmp5:
0x3a: {  	(pc) =	sbr.rel .LBB1_7-.Ltmp5, $4  }
0x3b: {  	s14 =	sshll.u32 s14, $0xF  }
0x3c: {  	s14 =	sadd.s32 s3, s14  }
0x3d: {  	s13 =	sadd.s32 s13, s14  }
0x3e: {  	[hbm4b:s13+s9] =	stream.strided.scatter [tilespmem:s15], [sflag:$0x2], $0x4000, s10, s9, $0x20;
	[tilespmem:$0x10100] =	vst v63  }
.LBB1_8:
0x3f: {  	_ =	sfence.sel $0x180000  }
0x40: {  	s2 =	simm.s32 $0x1;
	[bflag:$0x0] =	sbarrier.arrive $0xFFFF  }
0x41: {  	s31 =	simm.s32 $0x2;
	[sflag:s2] =	ssyncpa.u1 $0x1  }
0x42: {  	[sflag:s31] =	ssyncpa.u1 $0x1  }
0x43: {  	p0 =	sne.s32 s0, $0x0;
	_ =	strace $0x9000004A  }
0x44: {  	s0 =	sadd.s32 @!p0 $0x100000, s1;
	[bflag:$0x2] =	sbarrier.arrive $0xFFFF  }
0x45: {  	[sflag:s0] =	ssyncadd.tile.s32 @!p0 $0x1;
	_ =	shalt  }
.Lfunc_end1:
_tile_overlayer_lowered:
.L_overlay_start_2:
0x46: {  	(tag) =	ssettag $0x2  }
0x47: {  	s0 =	rddreg [dreg:$0x0];
	s2 =	stileid.u32  }
0x48: {  	s1 =	rddreg [dreg:$0x1];
	p0 =	sne.s32 s2, $0x0  }
0x49: {  	s3 =	rddreg [dreg:$0x2];
	[bflag:$0x3] =	sbarrier.arrive $0xFFFF;
	s2 =	simm.s32 @!p0 $0x1C01  }
0x4a: {  	[timem:s3], [sflag:s2] =	dma.local @!p0 [hbm:s0], s1  }
0x4b: {  	s0 =	simm.s32 @!p0 $0x1  }
0x4c: {  	_ =	swait.ge @!p0 [sflag:s0], s1  }
0x4d: {  	s1 =	ssub.s32 @!p0 $0x0, s1;
	[sflag:s0] =	ssyncset.done @!p0 $0x0  }
0x4e: {  	[sflag:s0] =	ssyncadd.s32 @!p0 s1  }
0x4f: {  	[bflag:$0x3] =	sbarrier.arrive $0xFFFF  }
0x50: {  	_ =	shalt  }

</sc_bundles>
